<compile_context>
chip_gen: v7x
topology: tpu7x:2x2x1
jax: 0.10.2.dev20260603
libtpu: 0.0.44.dev20260713+nightly
codegen_flags: <defaults>
</compile_context>

<pallas_src>
import functools

import jax
import jax.numpy as jnp
from jax import lax
from jax.experimental import pallas as pl
from jax.experimental.pallas import tpu as pltpu
from jax.experimental.pallas import tpu_sc as plsc

HIDDEN = 1024
NC = 2
NS = 16
NW = NC * NS
K = 16
NBUF = 4
DEPTH = 2


def _gather_body(table_hbm, idx_hbm, out_hbm, idx_v, rows_v, gsems, wsems,
                 b_per_w, n_chunks):
    wid = lax.axis_index("s") * NC + lax.axis_index("c")
    base = wid * b_per_w
    pltpu.sync_copy(idx_hbm.at[pl.ds(base, b_per_w)], idx_v)

    def start_gather(chunk, b):
        pltpu.async_copy(
            table_hbm.at[idx_v.at[pl.ds(chunk * K, K)]], rows_v.at[b],
            gsems[b])

    for c in range(DEPTH):
        start_gather(c, c % NBUF)

    def chunk_group(g, carry):
        c0 = g * NBUF
        for j in range(NBUF):
            chunk = c0 + j
            pltpu.make_async_copy(
                table_hbm.at[idx_v.at[pl.ds(0, K)]], rows_v.at[j],
                gsems[j]).wait()
            pltpu.async_copy(
                rows_v.at[j], out_hbm.at[pl.ds(base + chunk * K, K)],
                wsems[j])
            nb = (j + DEPTH) % NBUF
            @pl.when(chunk + DEPTH < n_chunks)
            def _():
                @pl.when(chunk + DEPTH >= NBUF)
                def _():
                    pltpu.make_async_copy(
                        rows_v.at[nb], out_hbm.at[pl.ds(0, K)],
                        wsems[nb]).wait()
                start_gather(chunk + DEPTH, nb)
        return carry

    lax.fori_loop(0, n_chunks // NBUF, chunk_group, 0)
    for b in range(NBUF):
        pltpu.make_async_copy(
            rows_v.at[b], out_hbm.at[pl.ds(0, K)], wsems[b]).wait()


def kernel(position_ids, pos_enc):
    orig_shape = position_ids.shape
    idx_flat = jnp.reshape(position_ids, (-1,)).astype(jnp.int32)
    B = idx_flat.shape[0]
    b_per_w = B // NW
    n_chunks = b_per_w // K
    assert n_chunks % NBUF == 0

    mesh = plsc.VectorSubcoreMesh(core_axis_name="c", subcore_axis_name="s")
    body = functools.partial(_gather_body, b_per_w=b_per_w, n_chunks=n_chunks)
    out = pl.kernel(
        body,
        out_type=jax.ShapeDtypeStruct((B, HIDDEN), jnp.float32),
        mesh=mesh,
        scratch_types=[
            pltpu.VMEM((b_per_w,), jnp.int32),
            pltpu.VMEM((NBUF, K, HIDDEN), jnp.float32),
            [pltpu.SemaphoreType.DMA] * NBUF,
            [pltpu.SemaphoreType.DMA] * NBUF,
        ],
    )(pos_enc, idx_flat)
    return jnp.reshape(out, orig_shape + (HIDDEN,))

# --- scband reference (transcript-rebuilt; emitter-appended) ---
"""Pipeline reference for scband-fixed-positional-encoding-35347580846160 (READ-ONLY COPY).

The authoritative reference and input builder live on the scoring server;
editing this copy changes nothing except your own understanding.
"""

import jax, jax.numpy as jnp
import numpy as np
import math

HIDDEN_SIZE = 1024
MAX_SEQ_LEN = 8192


def _build_pos_enc(hidden_size, max_sequence_length):
    position = jnp.arange(0.0, max_sequence_length, dtype=jnp.float32)[:, None]
    coef = -math.log(10000.0) / hidden_size
    div_term = jnp.exp(coef * jnp.arange(0.0, hidden_size, 2, dtype=jnp.float32))
    sin_part = jnp.sin(position * div_term)
    cos_part = jnp.cos(position * div_term)
    pos_enc = jnp.zeros((max_sequence_length, hidden_size), dtype=jnp.float32)
    pos_enc = pos_enc.at[:, 0::2].set(sin_part)
    pos_enc = pos_enc.at[:, 1::2].set(cos_part)
    pos_enc = pos_enc / math.sqrt(hidden_size)
    return pos_enc


def setup_inputs(seed: int = 0) -> dict:
    key = jax.random.key(seed)
    k1, _ = jax.random.split(key)
    position_ids = jax.random.randint(k1, (4, 8192), 0, MAX_SEQ_LEN, dtype=jnp.int64 if jax.config.jax_enable_x64 else jnp.int32)
    pos_enc = _build_pos_enc(HIDDEN_SIZE, MAX_SEQ_LEN)
    return {"position_ids": position_ids, "pos_enc": pos_enc}


def reference(position_ids, pos_enc):
    # torch.embedding(pos_enc, position_ids) == gather rows of pos_enc by id
    embeddings = jnp.take(pos_enc, position_ids, axis=0)
    return embeddings

if __name__ == "__main__":
    import jax
    _d = setup_inputs()
    print(jax.jit(kernel)(*tuple(_d.values())))

</pallas_src>

<mosaic_0001>
#map = affine_map<(d0, d1) -> (0, 0)>
#map1 = affine_map<(d0, d1) -> (0)>
module attributes {stable_mosaic.version = 14 : i64} {
  func.func @_gather_body(%arg0: i32, %arg1: i32, %arg2: memref<8192x1024xf32, #tpu.memory_space<hbm>>, %arg3: memref<32768xi32, #tpu.memory_space<hbm>>, %arg4: memref<32768x1024xf32, #tpu.memory_space<hbm>>, %arg5: memref<1024xi32, #tpu.memory_space<vmem>>, %arg6: memref<4x16x1024xf32, #tpu.memory_space<vmem>>, %arg7: memref<!tpu.dma_semaphore, #tpu.memory_space<semaphore_mem>>, %arg8: memref<!tpu.dma_semaphore, #tpu.memory_space<semaphore_mem>>, %arg9: memref<!tpu.dma_semaphore, #tpu.memory_space<semaphore_mem>>, %arg10: memref<!tpu.dma_semaphore, #tpu.memory_space<semaphore_mem>>, %arg11: memref<!tpu.dma_semaphore, #tpu.memory_space<semaphore_mem>>, %arg12: memref<!tpu.dma_semaphore, #tpu.memory_space<semaphore_mem>>, %arg13: memref<!tpu.dma_semaphore, #tpu.memory_space<semaphore_mem>>, %arg14: memref<!tpu.dma_semaphore, #tpu.memory_space<semaphore_mem>>) attributes {dimension_semantics = [#tpu.dimension_semantics<core_parallel>, #tpu.dimension_semantics<subcore_parallel>], iteration_bounds = array<i64: 2, 16>, scalar_prefetch = 0 : i64, scratch_operands = 10 : i64, tpu.core_type = #tpu.core_type<sc_vector_subcore>, window_params = [{transform_indices = #map}, {transform_indices = #map1}, {transform_indices = #map}]} {
    %mul3A = arith.constant 2 : i32
    %mul3A_0 = arith.muli %arg1, %mul3A : i32
    %add3A = arith.addi %mul3A_0, %arg0 : i32
    %mul3A_1 = arith.constant 1024 : i32
    %mul3A_2 = arith.muli %add3A, %mul3A_1 : i32
    "tpu.region"() ({
      %run_scoped3A = tpu.sem_alloc : memref<!tpu.dma_semaphore, #tpu.memory_space<semaphore_mem>>
      %dma_start3A_86 = tpu.memref_slice %arg3[%mul3A_2] : memref<32768xi32, #tpu.memory_space<hbm>> -> memref<1024xi32, #tpu.memory_space<hbm>>
      %dma_start3A_87 = tpu.memref_slice %arg3[%mul3A_2] : memref<32768xi32, #tpu.memory_space<hbm>> -> memref<1024xi32, #tpu.memory_space<hbm>>
      tpu.enqueue_dma source(%dma_start3A_87 : memref<1024xi32, #tpu.memory_space<hbm>>) target(%arg5 : memref<1024xi32, #tpu.memory_space<vmem>>) target_semaphore(%run_scoped3A : memref<!tpu.dma_semaphore, #tpu.memory_space<semaphore_mem>>)
      %dma_wait3A_88 = tpu.memref_slice %arg3[%mul3A_2] : memref<32768xi32, #tpu.memory_space<hbm>> -> memref<1024xi32, #tpu.memory_space<hbm>>
      %dma_wait3A_89 = tpu.memref_slice %arg3[%mul3A_2] : memref<32768xi32, #tpu.memory_space<hbm>> -> memref<1024xi32, #tpu.memory_space<hbm>>
      tpu.wait_dma2 semaphore(%run_scoped3A : memref<!tpu.dma_semaphore, #tpu.memory_space<semaphore_mem>>) src(%dma_wait3A_89 : memref<1024xi32, #tpu.memory_space<hbm>>) dst(%arg5 : memref<1024xi32, #tpu.memory_space<vmem>>)
      tpu.yield
    }) : () -> ()
    %dma_start3A = arith.constant 0 : i32
    %dma_start3A_3 = arith.constant 0 : i32
    %dma_start3A_4 = arith.constant 0 : i32
    %dma_start3A_5 = tpu.memref_slice %arg6[%dma_start3A, %dma_start3A_3, %dma_start3A_4] : memref<4x16x1024xf32, #tpu.memory_space<vmem>> -> memref<1x16x1024xf32, #tpu.memory_space<vmem>>
    %dma_start3A_6 = tpu.memref_squeeze %dma_start3A_5 : memref<1x16x1024xf32, #tpu.memory_space<vmem>> -> memref<16x1024xf32, #tpu.memory_space<vmem>>
    %dma_start3A_7 = arith.constant 0 : i32
    %dma_start3A_8 = tpu.memref_slice %arg5[%dma_start3A_7] : memref<1024xi32, #tpu.memory_space<vmem>> -> memref<16xi32, #tpu.memory_space<vmem>>
    %dma_start3A_9 = arith.constant 0 : i32
    %dma_start3A_10 = arith.constant 0 : i32
    %dma_start3A_11 = tpu.memref_slice %arg2[%dma_start3A_9, %dma_start3A_10] : memref<8192x1024xf32, #tpu.memory_space<hbm>> -> memref<8192x1024xf32, #tpu.memory_space<hbm>>
    tpu.enqueue_indirect_dma source(%dma_start3A_11 : memref<8192x1024xf32, #tpu.memory_space<hbm>>) target(%dma_start3A_6 : memref<16x1024xf32, #tpu.memory_space<vmem>>) offsets(%dma_start3A_8 : memref<16xi32, #tpu.memory_space<vmem>>) semaphore(%arg7 : memref<!tpu.dma_semaphore, #tpu.memory_space<semaphore_mem>>)
    %dma_start3A_12 = arith.constant 1 : i32
    %dma_start3A_13 = arith.constant 0 : i32
    %dma_start3A_14 = arith.constant 0 : i32
    %dma_start3A_15 = tpu.memref_slice %arg6[%dma_start3A_12, %dma_start3A_13, %dma_start3A_14] : memref<4x16x1024xf32, #tpu.memory_space<vmem>> -> memref<1x16x1024xf32, #tpu.memory_space<vmem>>
    %dma_start3A_16 = tpu.memref_squeeze %dma_start3A_15 : memref<1x16x1024xf32, #tpu.memory_space<vmem>> -> memref<16x1024xf32, #tpu.memory_space<vmem>>
    %dma_start3A_17 = arith.constant 16 : i32
    %dma_start3A_18 = tpu.memref_slice %arg5[%dma_start3A_17] : memref<1024xi32, #tpu.memory_space<vmem>> -> memref<16xi32, #tpu.memory_space<vmem>>
    %dma_start3A_19 = arith.constant 0 : i32
    %dma_start3A_20 = arith.constant 0 : i32
    %dma_start3A_21 = tpu.memref_slice %arg2[%dma_start3A_19, %dma_start3A_20] : memref<8192x1024xf32, #tpu.memory_space<hbm>> -> memref<8192x1024xf32, #tpu.memory_space<hbm>>
    tpu.enqueue_indirect_dma source(%dma_start3A_21 : memref<8192x1024xf32, #tpu.memory_space<hbm>>) target(%dma_start3A_16 : memref<16x1024xf32, #tpu.memory_space<vmem>>) offsets(%dma_start3A_18 : memref<16xi32, #tpu.memory_space<vmem>>) semaphore(%arg8 : memref<!tpu.dma_semaphore, #tpu.memory_space<semaphore_mem>>)
    %scan3A = arith.constant 0 : i32
    %scan3A_22 = arith.constant 0 : i32
    %scan3A_23 = arith.constant 16 : i32
    %scan3A_24 = arith.addi %scan3A_22, %scan3A_23 : i32
    %scan3A_25 = arith.constant 1 : i32
    scf.for %scan3A_86 = %scan3A_22 to %scan3A_24 step %scan3A_25  : i32 {
      %mul3A_87 = arith.constant 4 : i32
      %mul3A_88 = arith.muli %scan3A_86, %mul3A_87 : i32
      %add3A_89 = arith.constant 0 : i32
      %add3A_90 = arith.addi %mul3A_88, %add3A_89 : i32
      %dma_wait3A_91 = arith.constant 0 : i32
      %dma_wait3A_92 = arith.constant 0 : i32
      %dma_wait3A_93 = arith.constant 0 : i32
      %dma_wait3A_94 = tpu.memref_slice %arg6[%dma_wait3A_91, %dma_wait3A_92, %dma_wait3A_93] : memref<4x16x1024xf32, #tpu.memory_space<vmem>> -> memref<1x16x1024xf32, #tpu.memory_space<vmem>>
      %dma_wait3A_95 = tpu.memref_squeeze %dma_wait3A_94 : memref<1x16x1024xf32, #tpu.memory_space<vmem>> -> memref<16x1024xf32, #tpu.memory_space<vmem>>
      %dma_wait3A_96 = arith.constant 0 : i32
      %dma_wait3A_97 = tpu.memref_slice %arg5[%dma_wait3A_96] : memref<1024xi32, #tpu.memory_space<vmem>> -> memref<16xi32, #tpu.memory_space<vmem>>
      %dma_wait3A_98 = arith.constant 0 : i32
      %dma_wait3A_99 = arith.constant 0 : i32
      %dma_wait3A_100 = tpu.memref_slice %arg2[%dma_wait3A_98, %dma_wait3A_99] : memref<8192x1024xf32, #tpu.memory_space<hbm>> -> memref<8192x1024xf32, #tpu.memory_space<hbm>>
      tpu.wait_indirect_dma semaphore(%arg7 : memref<!tpu.dma_semaphore, #tpu.memory_space<semaphore_mem>>) src(%dma_wait3A_100 : memref<8192x1024xf32, #tpu.memory_space<hbm>>) dst(%dma_wait3A_95 : memref<16x1024xf32, #tpu.memory_space<vmem>>)
      %mul3A_101 = arith.constant 16 : i32
      %mul3A_102 = arith.muli %add3A_90, %mul3A_101 : i32
      %add3A_103 = arith.addi %mul3A_2, %mul3A_102 : i32
      %dma_start3A_104 = arith.constant 0 : i32
      %dma_start3A_105 = arith.constant 0 : i32
      %dma_start3A_106 = arith.constant 0 : i32
      %dma_start3A_107 = tpu.memref_slice %arg6[%dma_start3A_104, %dma_start3A_105, %dma_start3A_106] : memref<4x16x1024xf32, #tpu.memory_space<vmem>> -> memref<1x16x1024xf32, #tpu.memory_space<vmem>>
      %dma_start3A_108 = tpu.memref_squeeze %dma_start3A_107 : memref<1x16x1024xf32, #tpu.memory_space<vmem>> -> memref<16x1024xf32, #tpu.memory_space<vmem>>
      %dma_start3A_109 = arith.constant 0 : i32
      %dma_start3A_110 = tpu.memref_slice %arg4[%add3A_103, %dma_start3A_109] : memref<32768x1024xf32, #tpu.memory_space<hbm>> -> memref<16x1024xf32, #tpu.memory_space<hbm>>
      %dma_start3A_111 = arith.constant 0 : i32
      %dma_start3A_112 = tpu.memref_slice %arg4[%add3A_103, %dma_start3A_111] : memref<32768x1024xf32, #tpu.memory_space<hbm>> -> memref<16x1024xf32, #tpu.memory_space<hbm>>
      %dma_start3A_113 = arith.constant 0 : i32
      %dma_start3A_114 = arith.constant 0 : i32
      %dma_start3A_115 = tpu.memref_slice %arg6[%dma_start3A_104, %dma_start3A_113, %dma_start3A_114] : memref<4x16x1024xf32, #tpu.memory_space<vmem>> -> memref<1x16x1024xf32, #tpu.memory_space<vmem>>
      %dma_start3A_116 = tpu.memref_squeeze %dma_start3A_115 : memref<1x16x1024xf32, #tpu.memory_space<vmem>> -> memref<16x1024xf32, #tpu.memory_space<vmem>>
      tpu.enqueue_dma source(%dma_start3A_116 : memref<16x1024xf32, #tpu.memory_space<vmem>>) target(%dma_start3A_112 : memref<16x1024xf32, #tpu.memory_space<hbm>>) target_semaphore(%arg11 : memref<!tpu.dma_semaphore, #tpu.memory_space<semaphore_mem>>)
      %add3A_117 = arith.constant 2 : i32
      %add3A_118 = arith.addi %add3A_90, %add3A_117 : i32
      %lt3A = arith.constant 64 : i32
      %lt3A_119 = arith.cmpi slt, %add3A_118, %lt3A : i32
      %convert_element_type3A = arith.extui %lt3A_119 : i1 to i32
      %cond3A = arith.constant 0 : i32
      %cond3A_120 = arith.cmpi ne, %convert_element_type3A, %cond3A : i32
      scf.if %cond3A_120 {
        %add3A_226 = arith.constant 2 : i32
        %add3A_227 = arith.addi %add3A_90, %add3A_226 : i32
        %ge3A = arith.constant 4 : i32
        %ge3A_228 = arith.cmpi sge, %add3A_227, %ge3A : i32
        %convert_element_type3A_229 = arith.extui %ge3A_228 : i1 to i32
        %cond3A_230 = arith.constant 0 : i32
        %cond3A_231 = arith.cmpi ne, %convert_element_type3A_229, %cond3A_230 : i32
        scf.if %cond3A_231 {
          %dma_wait3A_245 = arith.constant 2 : i32
          %dma_wait3A_246 = arith.constant 0 : i32
          %dma_wait3A_247 = arith.constant 0 : i32
          %dma_wait3A_248 = tpu.memref_slice %arg6[%dma_wait3A_245, %dma_wait3A_246, %dma_wait3A_247] : memref<4x16x1024xf32, #tpu.memory_space<vmem>> -> memref<1x16x1024xf32, #tpu.memory_space<vmem>>
          %dma_wait3A_249 = tpu.memref_squeeze %dma_wait3A_248 : memref<1x16x1024xf32, #tpu.memory_space<vmem>> -> memref<16x1024xf32, #tpu.memory_space<vmem>>
          %dma_wait3A_250 = arith.constant 0 : i32
          %dma_wait3A_251 = arith.constant 0 : i32
          %dma_wait3A_252 = tpu.memref_slice %arg4[%dma_wait3A_250, %dma_wait3A_251] : memref<32768x1024xf32, #tpu.memory_space<hbm>> -> memref<16x1024xf32, #tpu.memory_space<hbm>>
          %dma_wait3A_253 = arith.constant 0 : i32
          %dma_wait3A_254 = arith.constant 0 : i32
          %dma_wait3A_255 = tpu.memref_slice %arg4[%dma_wait3A_253, %dma_wait3A_254] : memref<32768x1024xf32, #tpu.memory_space<hbm>> -> memref<16x1024xf32, #tpu.memory_space<hbm>>
          %dma_wait3A_256 = arith.constant 0 : i32
          %dma_wait3A_257 = arith.constant 0 : i32
          %dma_wait3A_258 = tpu.memref_slice %arg6[%dma_wait3A_245, %dma_wait3A_256, %dma_wait3A_257] : memref<4x16x1024xf32, #tpu.memory_space<vmem>> -> memref<1x16x1024xf32, #tpu.memory_space<vmem>>
          %dma_wait3A_259 = tpu.memref_squeeze %dma_wait3A_258 : memref<1x16x1024xf32, #tpu.memory_space<vmem>> -> memref<16x1024xf32, #tpu.memory_space<vmem>>
          tpu.wait_dma2 semaphore(%arg13 : memref<!tpu.dma_semaphore, #tpu.memory_space<semaphore_mem>>) src(%dma_wait3A_259 : memref<16x1024xf32, #tpu.memory_space<vmem>>) dst(%dma_wait3A_255 : memref<16x1024xf32, #tpu.memory_space<hbm>>)
        } else {
        }
        %add3A_232 = arith.constant 2 : i32
        %add3A_233 = arith.addi %add3A_90, %add3A_232 : i32
        %mul3A_234 = arith.constant 16 : i32
        %mul3A_235 = arith.muli %add3A_233, %mul3A_234 : i32
        %dma_start3A_236 = arith.constant 2 : i32
        %dma_start3A_237 = arith.constant 0 : i32
        %dma_start3A_238 = arith.constant 0 : i32
        %dma_start3A_239 = tpu.memref_slice %arg6[%dma_start3A_236, %dma_start3A_237, %dma_start3A_238] : memref<4x16x1024xf32, #tpu.memory_space<vmem>> -> memref<1x16x1024xf32, #tpu.memory_space<vmem>>
        %dma_start3A_240 = tpu.memref_squeeze %dma_start3A_239 : memref<1x16x1024xf32, #tpu.memory_space<vmem>> -> memref<16x1024xf32, #tpu.memory_space<vmem>>
        %dma_start3A_241 = tpu.memref_slice %arg5[%mul3A_235] : memref<1024xi32, #tpu.memory_space<vmem>> -> memref<16xi32, #tpu.memory_space<vmem>>
        %dma_start3A_242 = arith.constant 0 : i32
        %dma_start3A_243 = arith.constant 0 : i32
        %dma_start3A_244 = tpu.memref_slice %arg2[%dma_start3A_242, %dma_start3A_243] : memref<8192x1024xf32, #tpu.memory_space<hbm>> -> memref<8192x1024xf32, #tpu.memory_space<hbm>>
        tpu.enqueue_indirect_dma source(%dma_start3A_244 : memref<8192x1024xf32, #tpu.memory_space<hbm>>) target(%dma_start3A_240 : memref<16x1024xf32, #tpu.memory_space<vmem>>) offsets(%dma_start3A_241 : memref<16xi32, #tpu.memory_space<vmem>>) semaphore(%arg9 : memref<!tpu.dma_semaphore, #tpu.memory_space<semaphore_mem>>)
      } else {
      }
      %add3A_121 = arith.constant 1 : i32
      %add3A_122 = arith.addi %mul3A_88, %add3A_121 : i32
      %dma_wait3A_123 = arith.constant 1 : i32
      %dma_wait3A_124 = arith.constant 0 : i32
      %dma_wait3A_125 = arith.constant 0 : i32
      %dma_wait3A_126 = tpu.memref_slice %arg6[%dma_wait3A_123, %dma_wait3A_124, %dma_wait3A_125] : memref<4x16x1024xf32, #tpu.memory_space<vmem>> -> memref<1x16x1024xf32, #tpu.memory_space<vmem>>
      %dma_wait3A_127 = tpu.memref_squeeze %dma_wait3A_126 : memref<1x16x1024xf32, #tpu.memory_space<vmem>> -> memref<16x1024xf32, #tpu.memory_space<vmem>>
      %dma_wait3A_128 = arith.constant 0 : i32
      %dma_wait3A_129 = tpu.memref_slice %arg5[%dma_wait3A_128] : memref<1024xi32, #tpu.memory_space<vmem>> -> memref<16xi32, #tpu.memory_space<vmem>>
      %dma_wait3A_130 = arith.constant 0 : i32
      %dma_wait3A_131 = arith.constant 0 : i32
      %dma_wait3A_132 = tpu.memref_slice %arg2[%dma_wait3A_130, %dma_wait3A_131] : memref<8192x1024xf32, #tpu.memory_space<hbm>> -> memref<8192x1024xf32, #tpu.memory_space<hbm>>
      tpu.wait_indirect_dma semaphore(%arg8 : memref<!tpu.dma_semaphore, #tpu.memory_space<semaphore_mem>>) src(%dma_wait3A_132 : memref<8192x1024xf32, #tpu.memory_space<hbm>>) dst(%dma_wait3A_127 : memref<16x1024xf32, #tpu.memory_space<vmem>>)
      %mul3A_133 = arith.constant 16 : i32
      %mul3A_134 = arith.muli %add3A_122, %mul3A_133 : i32
      %add3A_135 = arith.addi %mul3A_2, %mul3A_134 : i32
      %dma_start3A_136 = arith.constant 1 : i32
      %dma_start3A_137 = arith.constant 0 : i32
      %dma_start3A_138 = arith.constant 0 : i32
      %dma_start3A_139 = tpu.memref_slice %arg6[%dma_start3A_136, %dma_start3A_137, %dma_start3A_138] : memref<4x16x1024xf32, #tpu.memory_space<vmem>> -> memref<1x16x1024xf32, #tpu.memory_space<vmem>>
      %dma_start3A_140 = tpu.memref_squeeze %dma_start3A_139 : memref<1x16x1024xf32, #tpu.memory_space<vmem>> -> memref<16x1024xf32, #tpu.memory_space<vmem>>
      %dma_start3A_141 = arith.constant 0 : i32
      %dma_start3A_142 = tpu.memref_slice %arg4[%add3A_135, %dma_start3A_141] : memref<32768x1024xf32, #tpu.memory_space<hbm>> -> memref<16x1024xf32, #tpu.memory_space<hbm>>
      %dma_start3A_143 = arith.constant 0 : i32
      %dma_start3A_144 = tpu.memref_slice %arg4[%add3A_135, %dma_start3A_143] : memref<32768x1024xf32, #tpu.memory_space<hbm>> -> memref<16x1024xf32, #tpu.memory_space<hbm>>
      %dma_start3A_145 = arith.constant 0 : i32
      %dma_start3A_146 = arith.constant 0 : i32
      %dma_start3A_147 = tpu.memref_slice %arg6[%dma_start3A_136, %dma_start3A_145, %dma_start3A_146] : memref<4x16x1024xf32, #tpu.memory_space<vmem>> -> memref<1x16x1024xf32, #tpu.memory_space<vmem>>
      %dma_start3A_148 = tpu.memref_squeeze %dma_start3A_147 : memref<1x16x1024xf32, #tpu.memory_space<vmem>> -> memref<16x1024xf32, #tpu.memory_space<vmem>>
      tpu.enqueue_dma source(%dma_start3A_148 : memref<16x1024xf32, #tpu.memory_space<vmem>>) target(%dma_start3A_144 : memref<16x1024xf32, #tpu.memory_space<hbm>>) target_semaphore(%arg12 : memref<!tpu.dma_semaphore, #tpu.memory_space<semaphore_mem>>)
      %add3A_149 = arith.constant 2 : i32
      %add3A_150 = arith.addi %add3A_122, %add3A_149 : i32
      %lt3A_151 = arith.constant 64 : i32
      %lt3A_152 = arith.cmpi slt, %add3A_150, %lt3A_151 : i32
      %convert_element_type3A_153 = arith.extui %lt3A_152 : i1 to i32
      %cond3A_154 = arith.constant 0 : i32
      %cond3A_155 = arith.cmpi ne, %convert_element_type3A_153, %cond3A_154 : i32
      scf.if %cond3A_155 {
        %add3A_226 = arith.constant 2 : i32
        %add3A_227 = arith.addi %add3A_122, %add3A_226 : i32
        %ge3A = arith.constant 4 : i32
        %ge3A_228 = arith.cmpi sge, %add3A_227, %ge3A : i32
        %convert_element_type3A_229 = arith.extui %ge3A_228 : i1 to i32
        %cond3A_230 = arith.constant 0 : i32
        %cond3A_231 = arith.cmpi ne, %convert_element_type3A_229, %cond3A_230 : i32
        scf.if %cond3A_231 {
          %dma_wait3A_245 = arith.constant 3 : i32
          %dma_wait3A_246 = arith.constant 0 : i32
          %dma_wait3A_247 = arith.constant 0 : i32
          %dma_wait3A_248 = tpu.memref_slice %arg6[%dma_wait3A_245, %dma_wait3A_246, %dma_wait3A_247] : memref<4x16x1024xf32, #tpu.memory_space<vmem>> -> memref<1x16x1024xf32, #tpu.memory_space<vmem>>
          %dma_wait3A_249 = tpu.memref_squeeze %dma_wait3A_248 : memref<1x16x1024xf32, #tpu.memory_space<vmem>> -> memref<16x1024xf32, #tpu.memory_space<vmem>>
          %dma_wait3A_250 = arith.constant 0 : i32
          %dma_wait3A_251 = arith.constant 0 : i32
          %dma_wait3A_252 = tpu.memref_slice %arg4[%dma_wait3A_250, %dma_wait3A_251] : memref<32768x1024xf32, #tpu.memory_space<hbm>> -> memref<16x1024xf32, #tpu.memory_space<hbm>>
          %dma_wait3A_253 = arith.constant 0 : i32
          %dma_wait3A_254 = arith.constant 0 : i32
          %dma_wait3A_255 = tpu.memref_slice %arg4[%dma_wait3A_253, %dma_wait3A_254] : memref<32768x1024xf32, #tpu.memory_space<hbm>> -> memref<16x1024xf32, #tpu.memory_space<hbm>>
          %dma_wait3A_256 = arith.constant 0 : i32
          %dma_wait3A_257 = arith.constant 0 : i32
          %dma_wait3A_258 = tpu.memref_slice %arg6[%dma_wait3A_245, %dma_wait3A_256, %dma_wait3A_257] : memref<4x16x1024xf32, #tpu.memory_space<vmem>> -> memref<1x16x1024xf32, #tpu.memory_space<vmem>>
          %dma_wait3A_259 = tpu.memref_squeeze %dma_wait3A_258 : memref<1x16x1024xf32, #tpu.memory_space<vmem>> -> memref<16x1024xf32, #tpu.memory_space<vmem>>
          tpu.wait_dma2 semaphore(%arg14 : memref<!tpu.dma_semaphore, #tpu.memory_space<semaphore_mem>>) src(%dma_wait3A_259 : memref<16x1024xf32, #tpu.memory_space<vmem>>) dst(%dma_wait3A_255 : memref<16x1024xf32, #tpu.memory_space<hbm>>)
        } else {
        }
        %add3A_232 = arith.constant 2 : i32
        %add3A_233 = arith.addi %add3A_122, %add3A_232 : i32
        %mul3A_234 = arith.constant 16 : i32
        %mul3A_235 = arith.muli %add3A_233, %mul3A_234 : i32
        %dma_start3A_236 = arith.constant 3 : i32
        %dma_start3A_237 = arith.constant 0 : i32
        %dma_start3A_238 = arith.constant 0 : i32
        %dma_start3A_239 = tpu.memref_slice %arg6[%dma_start3A_236, %dma_start3A_237, %dma_start3A_238] : memref<4x16x1024xf32, #tpu.memory_space<vmem>> -> memref<1x16x1024xf32, #tpu.memory_space<vmem>>
        %dma_start3A_240 = tpu.memref_squeeze %dma_start3A_239 : memref<1x16x1024xf32, #tpu.memory_space<vmem>> -> memref<16x1024xf32, #tpu.memory_space<vmem>>
        %dma_start3A_241 = tpu.memref_slice %arg5[%mul3A_235] : memref<1024xi32, #tpu.memory_space<vmem>> -> memref<16xi32, #tpu.memory_space<vmem>>
        %dma_start3A_242 = arith.constant 0 : i32
        %dma_start3A_243 = arith.constant 0 : i32
        %dma_start3A_244 = tpu.memref_slice %arg2[%dma_start3A_242, %dma_start3A_243] : memref<8192x1024xf32, #tpu.memory_space<hbm>> -> memref<8192x1024xf32, #tpu.memory_space<hbm>>
        tpu.enqueue_indirect_dma source(%dma_start3A_244 : memref<8192x1024xf32, #tpu.memory_space<hbm>>) target(%dma_start3A_240 : memref<16x1024xf32, #tpu.memory_space<vmem>>) offsets(%dma_start3A_241 : memref<16xi32, #tpu.memory_space<vmem>>) semaphore(%arg10 : memref<!tpu.dma_semaphore, #tpu.memory_space<semaphore_mem>>)
      } else {
      }
      %add3A_156 = arith.constant 2 : i32
      %add3A_157 = arith.addi %mul3A_88, %add3A_156 : i32
      %dma_wait3A_158 = arith.constant 2 : i32
      %dma_wait3A_159 = arith.constant 0 : i32
      %dma_wait3A_160 = arith.constant 0 : i32
      %dma_wait3A_161 = tpu.memref_slice %arg6[%dma_wait3A_158, %dma_wait3A_159, %dma_wait3A_160] : memref<4x16x1024xf32, #tpu.memory_space<vmem>> -> memref<1x16x1024xf32, #tpu.memory_space<vmem>>
      %dma_wait3A_162 = tpu.memref_squeeze %dma_wait3A_161 : memref<1x16x1024xf32, #tpu.memory_space<vmem>> -> memref<16x1024xf32, #tpu.memory_space<vmem>>
      %dma_wait3A_163 = arith.constant 0 : i32
      %dma_wait3A_164 = tpu.memref_slice %arg5[%dma_wait3A_163] : memref<1024xi32, #tpu.memory_space<vmem>> -> memref<16xi32, #tpu.memory_space<vmem>>
      %dma_wait3A_165 = arith.constant 0 : i32
      %dma_wait3A_166 = arith.constant 0 : i32
      %dma_wait3A_167 = tpu.memref_slice %arg2[%dma_wait3A_165, %dma_wait3A_166] : memref<8192x1024xf32, #tpu.memory_space<hbm>> -> memref<8192x1024xf32, #tpu.memory_space<hbm>>
      tpu.wait_indirect_dma semaphore(%arg9 : memref<!tpu.dma_semaphore, #tpu.memory_space<semaphore_mem>>) src(%dma_wait3A_167 : memref<8192x1024xf32, #tpu.memory_space<hbm>>) dst(%dma_wait3A_162 : memref<16x1024xf32, #tpu.memory_space<vmem>>)
      %mul3A_168 = arith.constant 16 : i32
      %mul3A_169 = arith.muli %add3A_157, %mul3A_168 : i32
      %add3A_170 = arith.addi %mul3A_2, %mul3A_169 : i32
      %dma_start3A_171 = arith.constant 2 : i32
      %dma_start3A_172 = arith.constant 0 : i32
      %dma_start3A_173 = arith.constant 0 : i32
      %dma_start3A_174 = tpu.memref_slice %arg6[%dma_start3A_171, %dma_start3A_172, %dma_start3A_173] : memref<4x16x1024xf32, #tpu.memory_space<vmem>> -> memref<1x16x1024xf32, #tpu.memory_space<vmem>>
      %dma_start3A_175 = tpu.memref_squeeze %dma_start3A_174 : memref<1x16x1024xf32, #tpu.memory_space<vmem>> -> memref<16x1024xf32, #tpu.memory_space<vmem>>
      %dma_start3A_176 = arith.constant 0 : i32
      %dma_start3A_177 = tpu.memref_slice %arg4[%add3A_170, %dma_start3A_176] : memref<32768x1024xf32, #tpu.memory_space<hbm>> -> memref<16x1024xf32, #tpu.memory_space<hbm>>
      %dma_start3A_178 = arith.constant 0 : i32
      %dma_start3A_179 = tpu.memref_slice %arg4[%add3A_170, %dma_start3A_178] : memref<32768x1024xf32, #tpu.memory_space<hbm>> -> memref<16x1024xf32, #tpu.memory_space<hbm>>
      %dma_start3A_180 = arith.constant 0 : i32
      %dma_start3A_181 = arith.constant 0 : i32
      %dma_start3A_182 = tpu.memref_slice %arg6[%dma_start3A_171, %dma_start3A_180, %dma_start3A_181] : memref<4x16x1024xf32, #tpu.memory_space<vmem>> -> memref<1x16x1024xf32, #tpu.memory_space<vmem>>
      %dma_start3A_183 = tpu.memref_squeeze %dma_start3A_182 : memref<1x16x1024xf32, #tpu.memory_space<vmem>> -> memref<16x1024xf32, #tpu.memory_space<vmem>>
      tpu.enqueue_dma source(%dma_start3A_183 : memref<16x1024xf32, #tpu.memory_space<vmem>>) target(%dma_start3A_179 : memref<16x1024xf32, #tpu.memory_space<hbm>>) target_semaphore(%arg13 : memref<!tpu.dma_semaphore, #tpu.memory_space<semaphore_mem>>)
      %add3A_184 = arith.constant 2 : i32
      %add3A_185 = arith.addi %add3A_157, %add3A_184 : i32
      %lt3A_186 = arith.constant 64 : i32
      %lt3A_187 = arith.cmpi slt, %add3A_185, %lt3A_186 : i32
      %convert_element_type3A_188 = arith.extui %lt3A_187 : i1 to i32
      %cond3A_189 = arith.constant 0 : i32
      %cond3A_190 = arith.cmpi ne, %convert_element_type3A_188, %cond3A_189 : i32
      scf.if %cond3A_190 {
        %add3A_226 = arith.constant 2 : i32
        %add3A_227 = arith.addi %add3A_157, %add3A_226 : i32
        %ge3A = arith.constant 4 : i32
        %ge3A_228 = arith.cmpi sge, %add3A_227, %ge3A : i32
        %convert_element_type3A_229 = arith.extui %ge3A_228 : i1 to i32
        %cond3A_230 = arith.constant 0 : i32
        %cond3A_231 = arith.cmpi ne, %convert_element_type3A_229, %cond3A_230 : i32
        scf.if %cond3A_231 {
          %dma_wait3A_245 = arith.constant 0 : i32
          %dma_wait3A_246 = arith.constant 0 : i32
          %dma_wait3A_247 = arith.constant 0 : i32
          %dma_wait3A_248 = tpu.memref_slice %arg6[%dma_wait3A_245, %dma_wait3A_246, %dma_wait3A_247] : memref<4x16x1024xf32, #tpu.memory_space<vmem>> -> memref<1x16x1024xf32, #tpu.memory_space<vmem>>
          %dma_wait3A_249 = tpu.memref_squeeze %dma_wait3A_248 : memref<1x16x1024xf32, #tpu.memory_space<vmem>> -> memref<16x1024xf32, #tpu.memory_space<vmem>>
          %dma_wait3A_250 = arith.constant 0 : i32
          %dma_wait3A_251 = arith.constant 0 : i32
          %dma_wait3A_252 = tpu.memref_slice %arg4[%dma_wait3A_250, %dma_wait3A_251] : memref<32768x1024xf32, #tpu.memory_space<hbm>> -> memref<16x1024xf32, #tpu.memory_space<hbm>>
          %dma_wait3A_253 = arith.constant 0 : i32
          %dma_wait3A_254 = arith.constant 0 : i32
          %dma_wait3A_255 = tpu.memref_slice %arg4[%dma_wait3A_253, %dma_wait3A_254] : memref<32768x1024xf32, #tpu.memory_space<hbm>> -> memref<16x1024xf32, #tpu.memory_space<hbm>>
          %dma_wait3A_256 = arith.constant 0 : i32
          %dma_wait3A_257 = arith.constant 0 : i32
          %dma_wait3A_258 = tpu.memref_slice %arg6[%dma_wait3A_245, %dma_wait3A_256, %dma_wait3A_257] : memref<4x16x1024xf32, #tpu.memory_space<vmem>> -> memref<1x16x1024xf32, #tpu.memory_space<vmem>>
          %dma_wait3A_259 = tpu.memref_squeeze %dma_wait3A_258 : memref<1x16x1024xf32, #tpu.memory_space<vmem>> -> memref<16x1024xf32, #tpu.memory_space<vmem>>
          tpu.wait_dma2 semaphore(%arg11 : memref<!tpu.dma_semaphore, #tpu.memory_space<semaphore_mem>>) src(%dma_wait3A_259 : memref<16x1024xf32, #tpu.memory_space<vmem>>) dst(%dma_wait3A_255 : memref<16x1024xf32, #tpu.memory_space<hbm>>)
        } else {
        }
        %add3A_232 = arith.constant 2 : i32
        %add3A_233 = arith.addi %add3A_157, %add3A_232 : i32
        %mul3A_234 = arith.constant 16 : i32
        %mul3A_235 = arith.muli %add3A_233, %mul3A_234 : i32
        %dma_start3A_236 = arith.constant 0 : i32
        %dma_start3A_237 = arith.constant 0 : i32
        %dma_start3A_238 = arith.constant 0 : i32
        %dma_start3A_239 = tpu.memref_slice %arg6[%dma_start3A_236, %dma_start3A_237, %dma_start3A_238] : memref<4x16x1024xf32, #tpu.memory_space<vmem>> -> memref<1x16x1024xf32, #tpu.memory_space<vmem>>
        %dma_start3A_240 = tpu.memref_squeeze %dma_start3A_239 : memref<1x16x1024xf32, #tpu.memory_space<vmem>> -> memref<16x1024xf32, #tpu.memory_space<vmem>>
        %dma_start3A_241 = tpu.memref_slice %arg5[%mul3A_235] : memref<1024xi32, #tpu.memory_space<vmem>> -> memref<16xi32, #tpu.memory_space<vmem>>
        %dma_start3A_242 = arith.constant 0 : i32
        %dma_start3A_243 = arith.constant 0 : i32
        %dma_start3A_244 = tpu.memref_slice %arg2[%dma_start3A_242, %dma_start3A_243] : memref<8192x1024xf32, #tpu.memory_space<hbm>> -> memref<8192x1024xf32, #tpu.memory_space<hbm>>
        tpu.enqueue_indirect_dma source(%dma_start3A_244 : memref<8192x1024xf32, #tpu.memory_space<hbm>>) target(%dma_start3A_240 : memref<16x1024xf32, #tpu.memory_space<vmem>>) offsets(%dma_start3A_241 : memref<16xi32, #tpu.memory_space<vmem>>) semaphore(%arg7 : memref<!tpu.dma_semaphore, #tpu.memory_space<semaphore_mem>>)
      } else {
      }
      %add3A_191 = arith.constant 3 : i32
      %add3A_192 = arith.addi %mul3A_88, %add3A_191 : i32
      %dma_wait3A_193 = arith.constant 3 : i32
      %dma_wait3A_194 = arith.constant 0 : i32
      %dma_wait3A_195 = arith.constant 0 : i32
      %dma_wait3A_196 = tpu.memref_slice %arg6[%dma_wait3A_193, %dma_wait3A_194, %dma_wait3A_195] : memref<4x16x1024xf32, #tpu.memory_space<vmem>> -> memref<1x16x1024xf32, #tpu.memory_space<vmem>>
      %dma_wait3A_197 = tpu.memref_squeeze %dma_wait3A_196 : memref<1x16x1024xf32, #tpu.memory_space<vmem>> -> memref<16x1024xf32, #tpu.memory_space<vmem>>
      %dma_wait3A_198 = arith.constant 0 : i32
      %dma_wait3A_199 = tpu.memref_slice %arg5[%dma_wait3A_198] : memref<1024xi32, #tpu.memory_space<vmem>> -> memref<16xi32, #tpu.memory_space<vmem>>
      %dma_wait3A_200 = arith.constant 0 : i32
      %dma_wait3A_201 = arith.constant 0 : i32
      %dma_wait3A_202 = tpu.memref_slice %arg2[%dma_wait3A_200, %dma_wait3A_201] : memref<8192x1024xf32, #tpu.memory_space<hbm>> -> memref<8192x1024xf32, #tpu.memory_space<hbm>>
      tpu.wait_indirect_dma semaphore(%arg10 : memref<!tpu.dma_semaphore, #tpu.memory_space<semaphore_mem>>) src(%dma_wait3A_202 : memref<8192x1024xf32, #tpu.memory_space<hbm>>) dst(%dma_wait3A_197 : memref<16x1024xf32, #tpu.memory_space<vmem>>)
      %mul3A_203 = arith.constant 16 : i32
      %mul3A_204 = arith.muli %add3A_192, %mul3A_203 : i32
      %add3A_205 = arith.addi %mul3A_2, %mul3A_204 : i32
      %dma_start3A_206 = arith.constant 3 : i32
      %dma_start3A_207 = arith.constant 0 : i32
      %dma_start3A_208 = arith.constant 0 : i32
      %dma_start3A_209 = tpu.memref_slice %arg6[%dma_start3A_206, %dma_start3A_207, %dma_start3A_208] : memref<4x16x1024xf32, #tpu.memory_space<vmem>> -> memref<1x16x1024xf32, #tpu.memory_space<vmem>>
      %dma_start3A_210 = tpu.memref_squeeze %dma_start3A_209 : memref<1x16x1024xf32, #tpu.memory_space<vmem>> -> memref<16x1024xf32, #tpu.memory_space<vmem>>
      %dma_start3A_211 = arith.constant 0 : i32
      %dma_start3A_212 = tpu.memref_slice %arg4[%add3A_205, %dma_start3A_211] : memref<32768x1024xf32, #tpu.memory_space<hbm>> -> memref<16x1024xf32, #tpu.memory_space<hbm>>
      %dma_start3A_213 = arith.constant 0 : i32
      %dma_start3A_214 = tpu.memref_slice %arg4[%add3A_205, %dma_start3A_213] : memref<32768x1024xf32, #tpu.memory_space<hbm>> -> memref<16x1024xf32, #tpu.memory_space<hbm>>
      %dma_start3A_215 = arith.constant 0 : i32
      %dma_start3A_216 = arith.constant 0 : i32
      %dma_start3A_217 = tpu.memref_slice %arg6[%dma_start3A_206, %dma_start3A_215, %dma_start3A_216] : memref<4x16x1024xf32, #tpu.memory_space<vmem>> -> memref<1x16x1024xf32, #tpu.memory_space<vmem>>
      %dma_start3A_218 = tpu.memref_squeeze %dma_start3A_217 : memref<1x16x1024xf32, #tpu.memory_space<vmem>> -> memref<16x1024xf32, #tpu.memory_space<vmem>>
      tpu.enqueue_dma source(%dma_start3A_218 : memref<16x1024xf32, #tpu.memory_space<vmem>>) target(%dma_start3A_214 : memref<16x1024xf32, #tpu.memory_space<hbm>>) target_semaphore(%arg14 : memref<!tpu.dma_semaphore, #tpu.memory_space<semaphore_mem>>)
      %add3A_219 = arith.constant 2 : i32
      %add3A_220 = arith.addi %add3A_192, %add3A_219 : i32
      %lt3A_221 = arith.constant 64 : i32
      %lt3A_222 = arith.cmpi slt, %add3A_220, %lt3A_221 : i32
      %convert_element_type3A_223 = arith.extui %lt3A_222 : i1 to i32
      %cond3A_224 = arith.constant 0 : i32
      %cond3A_225 = arith.cmpi ne, %convert_element_type3A_223, %cond3A_224 : i32
      scf.if %cond3A_225 {
        %add3A_226 = arith.constant 2 : i32
        %add3A_227 = arith.addi %add3A_192, %add3A_226 : i32
        %ge3A = arith.constant 4 : i32
        %ge3A_228 = arith.cmpi sge, %add3A_227, %ge3A : i32
        %convert_element_type3A_229 = arith.extui %ge3A_228 : i1 to i32
        %cond3A_230 = arith.constant 0 : i32
        %cond3A_231 = arith.cmpi ne, %convert_element_type3A_229, %cond3A_230 : i32
        scf.if %cond3A_231 {
          %dma_wait3A_245 = arith.constant 1 : i32
          %dma_wait3A_246 = arith.constant 0 : i32
          %dma_wait3A_247 = arith.constant 0 : i32
          %dma_wait3A_248 = tpu.memref_slice %arg6[%dma_wait3A_245, %dma_wait3A_246, %dma_wait3A_247] : memref<4x16x1024xf32, #tpu.memory_space<vmem>> -> memref<1x16x1024xf32, #tpu.memory_space<vmem>>
          %dma_wait3A_249 = tpu.memref_squeeze %dma_wait3A_248 : memref<1x16x1024xf32, #tpu.memory_space<vmem>> -> memref<16x1024xf32, #tpu.memory_space<vmem>>
          %dma_wait3A_250 = arith.constant 0 : i32
          %dma_wait3A_251 = arith.constant 0 : i32
          %dma_wait3A_252 = tpu.memref_slice %arg4[%dma_wait3A_250, %dma_wait3A_251] : memref<32768x1024xf32, #tpu.memory_space<hbm>> -> memref<16x1024xf32, #tpu.memory_space<hbm>>
          %dma_wait3A_253 = arith.constant 0 : i32
          %dma_wait3A_254 = arith.constant 0 : i32
          %dma_wait3A_255 = tpu.memref_slice %arg4[%dma_wait3A_253, %dma_wait3A_254] : memref<32768x1024xf32, #tpu.memory_space<hbm>> -> memref<16x1024xf32, #tpu.memory_space<hbm>>
          %dma_wait3A_256 = arith.constant 0 : i32
          %dma_wait3A_257 = arith.constant 0 : i32
          %dma_wait3A_258 = tpu.memref_slice %arg6[%dma_wait3A_245, %dma_wait3A_256, %dma_wait3A_257] : memref<4x16x1024xf32, #tpu.memory_space<vmem>> -> memref<1x16x1024xf32, #tpu.memory_space<vmem>>
          %dma_wait3A_259 = tpu.memref_squeeze %dma_wait3A_258 : memref<1x16x1024xf32, #tpu.memory_space<vmem>> -> memref<16x1024xf32, #tpu.memory_space<vmem>>
          tpu.wait_dma2 semaphore(%arg12 : memref<!tpu.dma_semaphore, #tpu.memory_space<semaphore_mem>>) src(%dma_wait3A_259 : memref<16x1024xf32, #tpu.memory_space<vmem>>) dst(%dma_wait3A_255 : memref<16x1024xf32, #tpu.memory_space<hbm>>)
        } else {
        }
        %add3A_232 = arith.constant 2 : i32
        %add3A_233 = arith.addi %add3A_192, %add3A_232 : i32
        %mul3A_234 = arith.constant 16 : i32
        %mul3A_235 = arith.muli %add3A_233, %mul3A_234 : i32
        %dma_start3A_236 = arith.constant 1 : i32
        %dma_start3A_237 = arith.constant 0 : i32
        %dma_start3A_238 = arith.constant 0 : i32
        %dma_start3A_239 = tpu.memref_slice %arg6[%dma_start3A_236, %dma_start3A_237, %dma_start3A_238] : memref<4x16x1024xf32, #tpu.memory_space<vmem>> -> memref<1x16x1024xf32, #tpu.memory_space<vmem>>
        %dma_start3A_240 = tpu.memref_squeeze %dma_start3A_239 : memref<1x16x1024xf32, #tpu.memory_space<vmem>> -> memref<16x1024xf32, #tpu.memory_space<vmem>>
        %dma_start3A_241 = tpu.memref_slice %arg5[%mul3A_235] : memref<1024xi32, #tpu.memory_space<vmem>> -> memref<16xi32, #tpu.memory_space<vmem>>
        %dma_start3A_242 = arith.constant 0 : i32
        %dma_start3A_243 = arith.constant 0 : i32
        %dma_start3A_244 = tpu.memref_slice %arg2[%dma_start3A_242, %dma_start3A_243] : memref<8192x1024xf32, #tpu.memory_space<hbm>> -> memref<8192x1024xf32, #tpu.memory_space<hbm>>
        tpu.enqueue_indirect_dma source(%dma_start3A_244 : memref<8192x1024xf32, #tpu.memory_space<hbm>>) target(%dma_start3A_240 : memref<16x1024xf32, #tpu.memory_space<vmem>>) offsets(%dma_start3A_241 : memref<16xi32, #tpu.memory_space<vmem>>) semaphore(%arg8 : memref<!tpu.dma_semaphore, #tpu.memory_space<semaphore_mem>>)
      } else {
      }
    }
    %scan3A_26 = arith.constant 16 : i32
    %dma_wait3A = arith.constant 0 : i32
    %dma_wait3A_27 = arith.constant 0 : i32
    %dma_wait3A_28 = arith.constant 0 : i32
    %dma_wait3A_29 = tpu.memref_slice %arg6[%dma_wait3A, %dma_wait3A_27, %dma_wait3A_28] : memref<4x16x1024xf32, #tpu.memory_space<vmem>> -> memref<1x16x1024xf32, #tpu.memory_space<vmem>>
    %dma_wait3A_30 = tpu.memref_squeeze %dma_wait3A_29 : memref<1x16x1024xf32, #tpu.memory_space<vmem>> -> memref<16x1024xf32, #tpu.memory_space<vmem>>
    %dma_wait3A_31 = arith.constant 0 : i32
    %dma_wait3A_32 = arith.constant 0 : i32
    %dma_wait3A_33 = tpu.memref_slice %arg4[%dma_wait3A_31, %dma_wait3A_32] : memref<32768x1024xf32, #tpu.memory_space<hbm>> -> memref<16x1024xf32, #tpu.memory_space<hbm>>
    %dma_wait3A_34 = arith.constant 0 : i32
    %dma_wait3A_35 = arith.constant 0 : i32
    %dma_wait3A_36 = tpu.memref_slice %arg4[%dma_wait3A_34, %dma_wait3A_35] : memref<32768x1024xf32, #tpu.memory_space<hbm>> -> memref<16x1024xf32, #tpu.memory_space<hbm>>
    %dma_wait3A_37 = arith.constant 0 : i32
    %dma_wait3A_38 = arith.constant 0 : i32
    %dma_wait3A_39 = tpu.memref_slice %arg6[%dma_wait3A, %dma_wait3A_37, %dma_wait3A_38] : memref<4x16x1024xf32, #tpu.memory_space<vmem>> -> memref<1x16x1024xf32, #tpu.memory_space<vmem>>
    %dma_wait3A_40 = tpu.memref_squeeze %dma_wait3A_39 : memref<1x16x1024xf32, #tpu.memory_space<vmem>> -> memref<16x1024xf32, #tpu.memory_space<vmem>>
    tpu.wait_dma2 semaphore(%arg11 : memref<!tpu.dma_semaphore, #tpu.memory_space<semaphore_mem>>) src(%dma_wait3A_40 : memref<16x1024xf32, #tpu.memory_space<vmem>>) dst(%dma_wait3A_36 : memref<16x1024xf32, #tpu.memory_space<hbm>>)
    %dma_wait3A_41 = arith.constant 1 : i32
    %dma_wait3A_42 = arith.constant 0 : i32
    %dma_wait3A_43 = arith.constant 0 : i32
    %dma_wait3A_44 = tpu.memref_slice %arg6[%dma_wait3A_41, %dma_wait3A_42, %dma_wait3A_43] : memref<4x16x1024xf32, #tpu.memory_space<vmem>> -> memref<1x16x1024xf32, #tpu.memory_space<vmem>>
    %dma_wait3A_45 = tpu.memref_squeeze %dma_wait3A_44 : memref<1x16x1024xf32, #tpu.memory_space<vmem>> -> memref<16x1024xf32, #tpu.memory_space<vmem>>
    %dma_wait3A_46 = arith.constant 0 : i32
    %dma_wait3A_47 = arith.constant 0 : i32
    %dma_wait3A_48 = tpu.memref_slice %arg4[%dma_wait3A_46, %dma_wait3A_47] : memref<32768x1024xf32, #tpu.memory_space<hbm>> -> memref<16x1024xf32, #tpu.memory_space<hbm>>
    %dma_wait3A_49 = arith.constant 0 : i32
    %dma_wait3A_50 = arith.constant 0 : i32
    %dma_wait3A_51 = tpu.memref_slice %arg4[%dma_wait3A_49, %dma_wait3A_50] : memref<32768x1024xf32, #tpu.memory_space<hbm>> -> memref<16x1024xf32, #tpu.memory_space<hbm>>
    %dma_wait3A_52 = arith.constant 0 : i32
    %dma_wait3A_53 = arith.constant 0 : i32
    %dma_wait3A_54 = tpu.memref_slice %arg6[%dma_wait3A_41, %dma_wait3A_52, %dma_wait3A_53] : memref<4x16x1024xf32, #tpu.memory_space<vmem>> -> memref<1x16x1024xf32, #tpu.memory_space<vmem>>
    %dma_wait3A_55 = tpu.memref_squeeze %dma_wait3A_54 : memref<1x16x1024xf32, #tpu.memory_space<vmem>> -> memref<16x1024xf32, #tpu.memory_space<vmem>>
    tpu.wait_dma2 semaphore(%arg12 : memref<!tpu.dma_semaphore, #tpu.memory_space<semaphore_mem>>) src(%dma_wait3A_55 : memref<16x1024xf32, #tpu.memory_space<vmem>>) dst(%dma_wait3A_51 : memref<16x1024xf32, #tpu.memory_space<hbm>>)
    %dma_wait3A_56 = arith.constant 2 : i32
    %dma_wait3A_57 = arith.constant 0 : i32
    %dma_wait3A_58 = arith.constant 0 : i32
    %dma_wait3A_59 = tpu.memref_slice %arg6[%dma_wait3A_56, %dma_wait3A_57, %dma_wait3A_58] : memref<4x16x1024xf32, #tpu.memory_space<vmem>> -> memref<1x16x1024xf32, #tpu.memory_space<vmem>>
    %dma_wait3A_60 = tpu.memref_squeeze %dma_wait3A_59 : memref<1x16x1024xf32, #tpu.memory_space<vmem>> -> memref<16x1024xf32, #tpu.memory_space<vmem>>
    %dma_wait3A_61 = arith.constant 0 : i32
    %dma_wait3A_62 = arith.constant 0 : i32
    %dma_wait3A_63 = tpu.memref_slice %arg4[%dma_wait3A_61, %dma_wait3A_62] : memref<32768x1024xf32, #tpu.memory_space<hbm>> -> memref<16x1024xf32, #tpu.memory_space<hbm>>
    %dma_wait3A_64 = arith.constant 0 : i32
    %dma_wait3A_65 = arith.constant 0 : i32
    %dma_wait3A_66 = tpu.memref_slice %arg4[%dma_wait3A_64, %dma_wait3A_65] : memref<32768x1024xf32, #tpu.memory_space<hbm>> -> memref<16x1024xf32, #tpu.memory_space<hbm>>
    %dma_wait3A_67 = arith.constant 0 : i32
    %dma_wait3A_68 = arith.constant 0 : i32
    %dma_wait3A_69 = tpu.memref_slice %arg6[%dma_wait3A_56, %dma_wait3A_67, %dma_wait3A_68] : memref<4x16x1024xf32, #tpu.memory_space<vmem>> -> memref<1x16x1024xf32, #tpu.memory_space<vmem>>
    %dma_wait3A_70 = tpu.memref_squeeze %dma_wait3A_69 : memref<1x16x1024xf32, #tpu.memory_space<vmem>> -> memref<16x1024xf32, #tpu.memory_space<vmem>>
    tpu.wait_dma2 semaphore(%arg13 : memref<!tpu.dma_semaphore, #tpu.memory_space<semaphore_mem>>) src(%dma_wait3A_70 : memref<16x1024xf32, #tpu.memory_space<vmem>>) dst(%dma_wait3A_66 : memref<16x1024xf32, #tpu.memory_space<hbm>>)
    %dma_wait3A_71 = arith.constant 3 : i32
    %dma_wait3A_72 = arith.constant 0 : i32
    %dma_wait3A_73 = arith.constant 0 : i32
    %dma_wait3A_74 = tpu.memref_slice %arg6[%dma_wait3A_71, %dma_wait3A_72, %dma_wait3A_73] : memref<4x16x1024xf32, #tpu.memory_space<vmem>> -> memref<1x16x1024xf32, #tpu.memory_space<vmem>>
    %dma_wait3A_75 = tpu.memref_squeeze %dma_wait3A_74 : memref<1x16x1024xf32, #tpu.memory_space<vmem>> -> memref<16x1024xf32, #tpu.memory_space<vmem>>
    %dma_wait3A_76 = arith.constant 0 : i32
    %dma_wait3A_77 = arith.constant 0 : i32
    %dma_wait3A_78 = tpu.memref_slice %arg4[%dma_wait3A_76, %dma_wait3A_77] : memref<32768x1024xf32, #tpu.memory_space<hbm>> -> memref<16x1024xf32, #tpu.memory_space<hbm>>
    %dma_wait3A_79 = arith.constant 0 : i32
    %dma_wait3A_80 = arith.constant 0 : i32
    %dma_wait3A_81 = tpu.memref_slice %arg4[%dma_wait3A_79, %dma_wait3A_80] : memref<32768x1024xf32, #tpu.memory_space<hbm>> -> memref<16x1024xf32, #tpu.memory_space<hbm>>
    %dma_wait3A_82 = arith.constant 0 : i32
    %dma_wait3A_83 = arith.constant 0 : i32
    %dma_wait3A_84 = tpu.memref_slice %arg6[%dma_wait3A_71, %dma_wait3A_82, %dma_wait3A_83] : memref<4x16x1024xf32, #tpu.memory_space<vmem>> -> memref<1x16x1024xf32, #tpu.memory_space<vmem>>
    %dma_wait3A_85 = tpu.memref_squeeze %dma_wait3A_84 : memref<1x16x1024xf32, #tpu.memory_space<vmem>> -> memref<16x1024xf32, #tpu.memory_space<vmem>>
    tpu.wait_dma2 semaphore(%arg14 : memref<!tpu.dma_semaphore, #tpu.memory_space<semaphore_mem>>) src(%dma_wait3A_85 : memref<16x1024xf32, #tpu.memory_space<vmem>>) dst(%dma_wait3A_81 : memref<16x1024xf32, #tpu.memory_space<hbm>>)
    return
  }
}

</mosaic_0001>

<sc_bundles>
// kernel: kernel.3.cloned.1.call-start
scs
__scs_entry_jumppad:
0x0: {  	(pc) =	sbr.rel $0x88, $3  }
0x1: {  	(tag) =	ssettag $0x0;
	lr =	simm.s32 $0x1  }
0x2: {  	[smem:$0x3F9F] =	sst lr;
	_ =	strace $0xD0000000  }
0x3: {  	_ = 	snop  }
0x4: {  	_ = 	snop  }
0x5: {  	_ = 	snop  }
0x6: {  	_ = 	snop  }
0x7: {  	_ = 	snop  }
__scs_overlays_trampoline_lowered:
0x8: {  	[smem:$0x3FAE] =	sst s0  }
0x9: {  	[smem:$0x3FAF] =	sst s1  }
0xa: {  	[smem:$0x3FB0] =	sst s2  }
0xb: {  	[smem:$0x3FB1] =	sst s3  }
0xc: {  	[smem:$0x3FB2] =	sst s4  }
0xd: {  	[smem:$0x3FB3] =	sst s5  }
0xe: {  	[smem:$0x3FB4] =	sst s6  }
0xf: {  	[smem:$0x3FB5] =	sst s7  }
0x10: {  	[smem:$0x3FB6] =	sst s8  }
0x11: {  	[smem:$0x3FB7] =	sst s9;
	s0 =	simm.s32 @!p0 $0x0  }
0x12: {  	s1 =	sld [smem:$0x3F9D];
	s0 =	simm.s32 @p0 $0x1  }
0x13: {  	[smem:$0x3FB8] =	sst s0;
	s0 =	simm.s32 @!p1 $0x0  }
0x14: {  	s2 =	sld [smem:$0x3F9C];
	s0 =	simm.s32 @p1 $0x1  }
0x15: {  	[smem:$0x3FB9] =	sst s0;
	s0 =	simm.s32 @!p2 $0x0  }
0x16: {  	s3 =	sld [smem:$0x3FDB];
	s0 =	simm.s32 @p2 $0x1  }
0x17: {  	s4 =	simm.s32 $0x1BF5;
	[smem:$0x3FBB] =	sst s0  }
0x18: {  	s0 =	sld [smem:$0x3F9E];
	_ =	swait.ge [sflag:s4], $0x0  }
0x19: {  	s7 =	sld [smem:$0x3F9F]  }
0x1a: {  	s8 =	sadd.s32 $0xFFFFE003, lr  }
0x1b: {  	s9 =	sadd.s32 $0xFFFFFEF7, lr;
	s5 =	simm.s32 $0xFFFFFFFF;
	p2 =	slt.u32 s8, $0xFFFFF086  }
0x1c: {  	p1 =	slt.u32 s9, $0xF7A;
	s5 =	simm.s32 @!p2 $0x0  }
0x1d: {  	s5 =	simm.s32 @p1 $0x1;
	p0 =	seq.s32 s7, s2  }
0x1e: {  	s7 =	smul.u32 @!p0 $0xF7A, s2;
	p2 =	seq.s32 @!p0 s5, $0x0  }
0x1f: {  	s9 =	smul.u32 $0xF7A, s1;
	s8 =	simm.s32 @!p0 $0x1BF5;
	p2 =	por !p2, p0  }
0x20: {  	[sflag:s8] =	ssyncset.s32 @!p0 $0xFFFFF086;
	s6 =	sadd.s32 @!p0 s3, s7;
	s7 =	simm.s32 @!p0 $0x108  }
0x21: {  	s3 =	sadd.s32 s3, s9;
	s6 =	sadd.s32 @!p0 $0x88, s6;
	s7 =	simm.s32 @p2 $0x1082  }
0x22: {  	[simem:s7], [sflag:s8] =	dma.local @!p0 [hbm:s6], $0xF7A  }
0x23: {  	s9 =	sor.u32 $0xD0000000, s2;
	s6 =	simm.s32 $0x108;
	_ =	swait.ge @!p0 [sflag:s8], $0x0  }
0x24: {  	s3 =	sadd.s32 $0x88, s3;
	s6 =	simm.s32 @!p1 $0x1082;
	[sflag:s4] =	ssyncset.s32 $0xFFFFF086  }
0x25: {  	[simem:s6], [sflag:s4] =	dma.local [hbm:s3], $0xF7A  }
0x26: {  	[smem:$0x3F9F] =	sst s1;
	(tag) =	ssettag s2;
	_ =	strace s9  }
0x27: {  	s1 =	sld [smem:$0x3FAF]  }
0x28: {  	s2 =	sld [smem:$0x3FB0]  }
0x29: {  	s4 =	sld [smem:$0x3FB2]  }
0x2a: {  	p0 =	seq.s32 s5, $0x0;
	s5 =	sld [smem:$0x3FB3]  }
0x2b: {  	s6 =	sld [smem:$0x3FB4]  }
0x2c: {  	s7 =	sld [smem:$0x3FB5]  }
0x2d: {  	s3 =	simm.s32 $0x108;
	s8 =	sld [smem:$0x3FB6]  }
0x2e: {  	s3 =	simm.s32 @!p0 $0x1082;
	s9 =	sld [smem:$0x3FB7]  }
0x2f: {  	lr =	sadd.s32 s0, s3;
	s0 =	sld [smem:$0x3FAE]  }
0x30: {  	s3 =	sld [smem:$0x3FB1]  }
0x31: {  	[smem:$0x3FBA] =	sst s10  }
0x32: {  	s10 =	sld [smem:$0x3FB8];
	_ =	sdelay $0x3  }
0x33: {  	p0 =	seq.s32 s10, $0x1;
	s10 =	sld [smem:$0x3FBA];
	_ =	sdelay $0x3  }
0x34: {  	[smem:$0x3FBA] =	sst s10  }
0x35: {  	s10 =	sld [smem:$0x3FB9];
	_ =	sdelay $0x3  }
0x36: {  	p1 =	seq.s32 s10, $0x1;
	s10 =	sld [smem:$0x3FBA];
	_ =	sdelay $0x3  }
0x37: {  	[smem:$0x3FBA] =	sst s10  }
0x38: {  	s10 =	sld [smem:$0x3FBB]  }
0x39: {  	_ = 	snop;
	(pc) =	sbr.ind lr, $3  }
0x3a: {  	_ = 	snop  }
0x3b: {  	_ = 	snop  }
0x3c: {  	p2 =	seq.s32 s10, $0x1;
	s10 =	sld [smem:$0x3FBA]  }
0x3d: {  	_ =	shalt  }
0x3e: {  	_ =	shalt  }
0x3f: {  	_ =	shalt  }
0x40: {  	_ =	shalt  }
0x41: {  	_ =	shalt  }
0x42: {  	_ =	shalt  }
0x43: {  	_ =	shalt  }
0x44: {  	_ =	shalt  }
0x45: {  	_ =	shalt  }
0x46: {  	_ =	shalt  }
0x47: {  	_ =	shalt  }
0x48: {  	_ =	shalt  }
0x49: {  	_ =	shalt  }
0x4a: {  	_ =	shalt  }
0x4b: {  	_ =	shalt  }
0x4c: {  	_ =	shalt  }
0x4d: {  	_ =	shalt  }
0x4e: {  	_ =	shalt  }
0x4f: {  	_ =	shalt  }
0x50: {  	_ =	shalt  }
0x51: {  	_ =	shalt  }
0x52: {  	_ =	shalt  }
0x53: {  	_ =	shalt  }
0x54: {  	_ =	shalt  }
0x55: {  	_ =	shalt  }
0x56: {  	_ =	shalt  }
0x57: {  	_ =	shalt  }
0x58: {  	_ =	shalt  }
0x59: {  	_ =	shalt  }
0x5a: {  	_ =	shalt  }
0x5b: {  	_ =	shalt  }
0x5c: {  	_ =	shalt  }
0x5d: {  	_ =	shalt  }
0x5e: {  	_ =	shalt  }
0x5f: {  	_ =	shalt  }
0x60: {  	_ =	shalt  }
0x61: {  	_ =	shalt  }
0x62: {  	_ =	shalt  }
0x63: {  	_ =	shalt  }
0x64: {  	_ =	shalt  }
0x65: {  	_ =	shalt  }
0x66: {  	_ =	shalt  }
0x67: {  	_ =	shalt  }
0x68: {  	_ =	shalt  }
0x69: {  	_ =	shalt  }
0x6a: {  	_ =	shalt  }
0x6b: {  	_ =	shalt  }
0x6c: {  	_ =	shalt  }
0x6d: {  	_ =	shalt  }
0x6e: {  	_ =	shalt  }
0x6f: {  	_ =	shalt  }
0x70: {  	_ =	shalt  }
0x71: {  	_ =	shalt  }
0x72: {  	_ =	shalt  }
0x73: {  	_ =	shalt  }
0x74: {  	_ =	shalt  }
0x75: {  	_ =	shalt  }
0x76: {  	_ =	shalt  }
0x77: {  	_ =	shalt  }
0x78: {  	_ =	shalt  }
0x79: {  	_ =	shalt  }
0x7a: {  	_ =	shalt  }
0x7b: {  	_ =	shalt  }
0x7c: {  	_ =	shalt  }
0x7d: {  	_ =	shalt  }
0x7e: {  	_ =	shalt  }
0x7f: {  	_ =	shalt  }
0x80: {  	_ =	shalt  }
0x81: {  	_ =	shalt  }
0x82: {  	_ =	shalt  }
0x83: {  	_ =	shalt  }
0x84: {  	_ =	shalt  }
0x85: {  	_ =	shalt  }
0x86: {  	_ =	shalt  }
0x87: {  	_ =	shalt  }
.Lfunc_end0:
.L_simem_size_0:
called_computation_lowered:
.L_overlay_start_0:
0x88: {  	s2 =	sld [smem:$0x3FD9]  }
0x89: {  	s3 =	sld [smem:$0x3FFE];
	_ =	sdelay $0x1  }
0x8a: {  	s1 =	srdreg.scid  }
0x8b: {  	s0 =	sand.u32 $0x1, s1  }
0x8c: {  	s17 =	sshll.u32 s0, $0xA;
	s2 =	sadd.s32 s3, s2  }
0x8d: {  	s2 =	sadd.s32 s2, s17  }
0x8e: {  	[smem:$0x3FC6] =	sst s2  }
0x8f: {  	_ = 	snop  }
0x90: {  	s2 =	sld [smem:$0x3FC8]  }
0x91: {  	s18 =	sld [smem:$0x3FD0];
	(tm) =	ssettm $0x1  }
0x92: {  	s4 =	sld [smem:$0x3FFB];
	_ =	sdelay $0x3  }
0x93: {  	_ =	strace s4  }
0x94: {  	s4 =	sld [smem:$0x3FFC];
	_ =	sdelay $0x3  }
0x95: {  	_ =	strace s4  }
0x96: {  	s4 =	sld [smem:$0x3FFD];
	_ =	sdelay $0x3  }
0x97: {  	_ =	strace s4  }
0x98: {  	_ =	strace $0x8FFFFFFF  }
0x99: {  	s19 =	sld [smem:$0x3FDB];
	_ =	sdelay $0x1  }
0x9a: {  	s5 =	simm.s32 $_scs_section_size  }
0x9b: {  	s6 =	simm.s32 $_size__tile_overlayer_lowered;
	s7 =	simm.s32 $_tile_overlayer_lowered  }
0x9c: {  	s22 =	simm.s32 $0x1BFF;
	s21 =	sshll.u32 s7, $0x1;
	s4 =	sadd.s32 s5, s19  }
0x9d: {  	s8 =	simm.s32 $0x0;
	s20 =	sshll.u32 s6, $0x1;
	s6 =	sadd.s32 s21, s4  }
0x9e: {  	[timem:s8], [sflag:s22] =	dma.local [hbm:s6], s20  }
0x9f: {  	_ =	swait.ge [sflag:s22], s20  }
0xa0: {  	s5 =	ssub.s32 $0x0, s20;
	[sflag:s22] =	ssyncset.done $0x0  }
0xa1: {  	[sflag:s22] =	ssyncadd.s32 s5;
	_ =	sdelay $0x1  }
0xa2: {  	s23 =	simm.s32 $0x1B8B  }
0xa3: {  	_ =	swait.ge [sflag:s23], $0x1  }
0xa4: {  	[sflag:s23] =	ssyncset.done $0x0  }
0xa5: {  	s25 =	simm.s32 $0x1B8E;
	s24 =	sld [smem:$0x3FFE];
	[sflag:s23] =	ssyncadd.s32 $0xFFFFFFFF  }
0xa6: {  	s26 =	simm.s32 $execute0_lowered;
	[smem:$0x3FD2] =	sst s25  }
0xa7: {  	s6 =	sshll.u32 s26, $0x1;
	_ =	strace $0x80000046;
	[dreg:$0x1] =	wrdreg $0xFFFFFFFF  }
0xa8: {  	s28 =	simm.s32 $_size_execute0_lowered;
	s4 =	sadd.s32 s4, s6;
	[dreg:$0x0] =	wrdreg $0x0  }
0xa9: {  	s6 =	sshll.u32 s28, $0x1;
	[dreg:$0x2] =	wrdreg s4  }
0xaa: {  	[dreg:$0x3] =	wrdreg s6  }
0xab: {  	[dreg:$0x4] =	wrdreg $0xC0  }
0xac: {  	_ =	task [dreg:s8], $0x5FFFF  }
0xad: {  	[dreg:$0x1] =	wrdreg $0xFFFFFFFF  }
0xae: {  	[dreg:$0x0] =	wrdreg $0x60  }
0xaf: {  	[dreg:$0x2] =	wrdreg s2  }
0xb0: {  	[dreg:$0x3] =	wrdreg s24  }
0xb1: {  	[dreg:$0x4] =	wrdreg s18  }
0xb2: {  	[dreg:$0x5] =	wrdreg $0x9  }
0xb3: {  	_ =	task.clear_ibuf [dreg:s8], $0x6FFFF;
	_ =	strace $0x90000046  }
0xb4: {  	s29 =	simm.s32 $0x9;
	_ =	strace $0x80000048  }
0xb5: {  	_ =	swait.ge [sflag:s29], $0x1  }
0xb6: {  	[sflag:s29] =	ssyncadd.s32 $0xFFFFFFFF  }
0xb7: {  	_ =	strace $0x90000048  }
0xb8: {  	_ =	sfence  }
0xb9: {  	s30 =	sld [smem:$0x0];
	_ =	sdelay $0x2  }
0xba: {  	s31 =	sshll.u32 s1, $0xD;
	s1 =	sshrl.u32 s1, $0x2  }
0xbb: {  	s3 =	sand.u32 $0x4000, s31;
	s1 =	sadd.s32 s1, s30  }
0xbc: {  	s0 =	sor.u32 s3, s0;
	s1 =	sshll.u32 s1, $0x11  }
0xbd: {  	s0 =	sor.u32 s1, s0  }
0xbe: {  	s0 =	sadd.s32 $0x8F2B, s0  }
0xbf: {  	[sflag:s0] =	ssyncadd.remote.s32 $0x1  }
0xc0: {  	_ =	sfence.sel $0xFFFF  }
0xc1: {  	[dreg:$0x0] =	wrdreg $0xFFFFFFFF;
	(pc) =	sbr.abs _section_cstart, $3  }
0xc2: {  	[dreg:$0x1] =	wrdreg $0xFFFFFFFF  }
0xc3: {  	_ =	task.clear_ibuf [dreg:s8], $0x2FFFF;
	_ =	strace $0x9FFFFFFF  }
0xc4: {  	(tm) =	ssettm $0x7FFFFFFF  }
0xc5: {  	_ =	shalt  }
tec
execute0_lowered:
.L_overlay_start_1:
0x0: {  	(tag) =	ssettag $0x1  }
0x1: {  	s2 =	rddreg [dreg:$0x0]  }
0x2: {  	s0 =	rddreg [dreg:$0x1]  }
0x3: {  	s1 =	srdreg.scid;
	s4 =	rddreg [dreg:$0x2]  }
0x4: {  	s10 =	stileid.u32;
	s3 =	simm.s32 $0x0;
	s12 =	simm.s32 $0x400  }
0x5: {  	s20 =	simm.s32 $0x4400;
	s29 =	simm.s32 $0x1;
	s30 =	simm.s32 $0x8400  }
0x6: {  	s11 =	simm.s32 $0xBC00;
	s13 =	simm.s32 $0x2;
	s14 =	simm.s32 $0xC400  }
0x7: {  	s15 =	simm.s32 $0xCC00;
	s16 =	simm.s32 $0xD400;
	s17 =	simm.s32 $0xDC00  }
0x8: {  	s18 =	simm.s32 $0xE400;
	s19 =	simm.s32 $0xEC00;
	s21 =	simm.s32 $0xF400  }
0x9: {  	s22 =	simm.s32 $0xFC00;
	s23 =	simm.s32 $0x3;
	s28 =	simm.s32 $0x0  }
0xa: {  	s1 =	sand.u32 $0x1, s1;
	s5 =	sshll.u32 s10, $0xB;
	[smem:$0x7FF] =	sst s3  }
0xb: {  	s26 =	sshll.u32 s10, $0x12;
	s6 =	sshll.u32 s1, $0xA;
	s24 =	ssub.s32 $0x2, s1  }
0xc: {  	_ =	strace $0x80000047;
	s1 =	sshll.u32 s1, $0x11;
	s8 =	sor.u32 s6, s5  }
0xd: {  	s7 =	sshrl.u32 s24, $0x1;
	s5 =	sadd.s32 $0x100, s2;
	s6 =	sshrl.u32 s8, $0x3  }
0xe: {  	s9 =	ssub.s32 s24, s7;
	s7 =	sadd.s32 $0x300, s2;
	s25 =	sshll.u32 s8, $0x7  }
0xf: {  	s8 =	simm.s32 $0xAC00;
	s24 =	simm.s32 $0x4;
	s0 =	sadd.s32 s6, s0  }
.Ltmp0:
0x10: {  	s6 =	sadd.s32 $0x200, s2;
	s31 =	smax.u32 s9, $0x1;
	(pc) =	sbr.rel .LBB2_1-.Ltmp0, $4  }
0x11: {  	s9 =	simm.s32 $0xB400;
	s0 =	sadd.s32 $0x400, s0;
	[dreg:$0x6] =	wrdreg s31  }
0x12: {  	v2 =	vlaneseq.u32;
	[dreg:$0x4] =	wrdreg s0;
	s0 =	sadd.s32 s25, s4;
	s4 =	sadd.s32 s26, s4  }
0x13: {  	vm0 =	vmmov $0xffff;
	v1 =	vshrl.u32 v2, $0x3;
	s25 =	simm.s32 $0x5;
	s26 =	simm.s32 $0x6;
	s0 =	sadd.s32 $0x1F800, s0  }
0x14: {  	v0 =	vand.u32 $0x7, v2;
	v2 =	vor.u32 $0x8, v2;
	v1 =	vmul.u32 $0x8, v1;
	s10 =	sadd.s32 s1, s4;
	s4 =	simm.s32 $0xA400;
	[dreg:$0x5] =	wrdreg s0  }
.LBB2_4:
0x15: {  	_ =	swait.ge [sflag:s24], $0x4000  }
0x16: {  	[sflag:s24] =	ssyncset.done $0x0  }
0x17: {  	s0 =	rddreg [dreg:$0x5];
	[sflag:s24] =	ssyncadd.s32 $0xFFFFC000  }
0x18: {  	[hbm4b:s0+s3] =	stream.linear.scatter [tilespmem:s14], [sflag:$0x8], $0x4000, $0x38;
	[tilespmem:$0x10400] =	vst v63  }
0x19: {  	_ =	swait.ge [sflag:s25], $0x4000  }
0x1a: {  	[sflag:s25] =	ssyncset.done $0x0  }
0x1b: {  	[sflag:s25] =	ssyncadd.s32 $0xFFFFC000  }
0x1c: {  	_ =	swait.ge [sflag:s26], $0x4000  }
0x1d: {  	[sflag:s26] =	ssyncset.done $0x0  }
0x1e: {  	s1 =	simm.s32 $0x7;
	[sflag:s26] =	ssyncadd.s32 $0xFFFFC000  }
0x1f: {  	_ =	swait.ge [sflag:s1], $0x4000  }
0x20: {  	[sflag:s1] =	ssyncset.done $0x0  }
0x21: {  	[sflag:s1] =	ssyncadd.s32 $0xFFFFC000;
	s1 =	simm.s32 $0x8  }
0x22: {  	_ =	swait.ge [sflag:s1], $0x4000  }
0x23: {  	s28 =	rddreg [dreg:$0x7]  }
0x24: {  	s31 =	rddreg [dreg:$0x6];
	s28 =	sadd.s32 $0x1, s28  }
0x25: {  	p0 =	sne.s32 s28, s31  }
.Ltmp1:
0x26: {  	_ = 	snop;
	(pc) =	sbr.rel @!p0 .LBB2_5-.Ltmp1, $3  }
0x27: {  	_ =	sdelay $0x1  }
0x28: {  	[sflag:s1] =	ssyncset.done $0x0  }
0x29: {  	[sflag:s1] =	ssyncadd.s32 $0xFFFFC000  }
.LBB2_1:
0x2a: {  	[dreg:$0x7] =	wrdreg s28  }
0x2b: {  	s0 =	rddreg [dreg:$0x4];
	s1 =	simm.s32 $0x9  }
0x2c: {  	[tilespmem:s3], [sflag:$0x9] =	stream.linear.gather [hbm4b:s0+s3], $0x400, $0x38;
	[tilespmem:$0x10400] =	vst v63  }
0x2d: {  	_ =	swait.ge [sflag:s1], $0x400  }
0x2e: {  	[sflag:s1] =	ssyncset.done $0x0  }
0x2f: {  	[sflag:s1] =	ssyncadd.s32 $0xFFFFFC00  }
0x30: {  	v3 =	vld [tilespmem:$0x0];
	_ =	sdelay $0x4  }
0x31: {  	v4 =	vshll.u32 v3, $0x3  }
0x32: {  	v3 =	vand.u32 $0x7, v3;
	v4 =	vand.u32 $0xFFFFFFC0, v4  }
0x33: {  	v3 =	vor.u32 v3, v4  }
0x34: {  	v4 =	vperm.xlane v3, v0;
	_ =	sdelay $0x1  }
0x35: {  	v4 =	vadd.s32 v1, v4;
	_ =	sdelay $0x4  }
0x36: {  	[tilespmem:s12], [sflag:$0x1] =	stream.indirect_vreg.gather [hbm4b:s2+s3], $0x80, v4, vm0, $0xb8;
	[tilespmem:$0x10400] =	vst v63  }
0x37: {  	s1 =	simm.s32 $0xC00;
	v3 =	vperm.xlane v3, v2  }
0x38: {  	[tilespmem:s1], [sflag:$0x1] =	stream.indirect_vreg.gather [hbm4b:s5+s3], $0x80, v4, vm0, $0xb8;
	[tilespmem:$0x10400] =	vst v63  }
0x39: {  	v3 =	vadd.s32 v1, v3;
	s1 =	simm.s32 $0x1400  }
0x3a: {  	[tilespmem:s1], [sflag:$0x1] =	stream.indirect_vreg.gather [hbm4b:s6+s3], $0x80, v4, vm0, $0xb8;
	[tilespmem:$0x10400] =	vst v63  }
0x3b: {  	s1 =	simm.s32 $0x1C00  }
0x3c: {  	[tilespmem:s1], [sflag:$0x1] =	stream.indirect_vreg.gather [hbm4b:s7+s3], $0x80, v4, vm0, $0xb8;
	[tilespmem:$0x10400] =	vst v63  }
0x3d: {  	s1 =	simm.s32 $0x2400  }
0x3e: {  	[tilespmem:s1], [sflag:$0x1] =	stream.indirect_vreg.gather [hbm4b:s2+s3], $0x80, v3, vm0, $0xb8;
	[tilespmem:$0x10400] =	vst v63  }
0x3f: {  	s1 =	simm.s32 $0x2C00  }
0x40: {  	[tilespmem:s1], [sflag:$0x1] =	stream.indirect_vreg.gather [hbm4b:s5+s3], $0x80, v3, vm0, $0xb8;
	[tilespmem:$0x10400] =	vst v63  }
0x41: {  	s1 =	simm.s32 $0x3400  }
0x42: {  	[tilespmem:s1], [sflag:$0x1] =	stream.indirect_vreg.gather [hbm4b:s6+s3], $0x80, v3, vm0, $0xb8;
	[tilespmem:$0x10400] =	vst v63  }
0x43: {  	s1 =	simm.s32 $0x3C00  }
0x44: {  	[tilespmem:s1], [sflag:$0x1] =	stream.indirect_vreg.gather [hbm4b:s7+s3], $0x80, v3, vm0, $0xb8;
	[tilespmem:$0x10400] =	vst v63  }
0x45: {  	v3 =	vld [tilespmem:$0x10];
	_ =	sdelay $0x4  }
0x46: {  	v63 =	vshll.u32 v3, $0x3  }
0x47: {  	v3 =	vand.u32 $0x7, v3;
	v4 =	vand.u32 $0xFFFFFFC0, v63  }
0x48: {  	v3 =	vor.u32 v3, v4  }
0x49: {  	v4 =	vperm.xlane v3, v0;
	_ =	sdelay $0x1  }
0x4a: {  	v4 =	vadd.s32 v1, v4;
	_ =	sdelay $0x4  }
0x4b: {  	[tilespmem:s20], [sflag:$0x2] =	stream.indirect_vreg.gather [hbm4b:s2+s3], $0x80, v4, vm0, $0xb8;
	[tilespmem:$0x10400] =	vst v63  }
0x4c: {  	s1 =	simm.s32 $0x4C00;
	v3 =	vperm.xlane v3, v2  }
0x4d: {  	[tilespmem:s1], [sflag:$0x2] =	stream.indirect_vreg.gather [hbm4b:s5+s3], $0x80, v4, vm0, $0xb8;
	[tilespmem:$0x10400] =	vst v63  }
0x4e: {  	v3 =	vadd.s32 v1, v3;
	s1 =	simm.s32 $0x5400  }
0x4f: {  	[tilespmem:s1], [sflag:$0x2] =	stream.indirect_vreg.gather [hbm4b:s6+s3], $0x80, v4, vm0, $0xb8;
	[tilespmem:$0x10400] =	vst v63  }
0x50: {  	s1 =	simm.s32 $0x5C00  }
0x51: {  	[tilespmem:s1], [sflag:$0x2] =	stream.indirect_vreg.gather [hbm4b:s7+s3], $0x80, v4, vm0, $0xb8;
	[tilespmem:$0x10400] =	vst v63  }
0x52: {  	s1 =	simm.s32 $0x6400  }
0x53: {  	[tilespmem:s1], [sflag:$0x2] =	stream.indirect_vreg.gather [hbm4b:s2+s3], $0x80, v3, vm0, $0xb8;
	[tilespmem:$0x10400] =	vst v63  }
0x54: {  	s1 =	simm.s32 $0x6C00  }
0x55: {  	[tilespmem:s1], [sflag:$0x2] =	stream.indirect_vreg.gather [hbm4b:s5+s3], $0x80, v3, vm0, $0xb8;
	[tilespmem:$0x10400] =	vst v63  }
0x56: {  	s1 =	simm.s32 $0x7400  }
0x57: {  	[tilespmem:s1], [sflag:$0x2] =	stream.indirect_vreg.gather [hbm4b:s6+s3], $0x80, v3, vm0, $0xb8;
	[tilespmem:$0x10400] =	vst v63  }
0x58: {  	s28 =	simm.s32 $0x30;
	s31 =	simm.s32 $0x0;
	s1 =	simm.s32 $0x7C00  }
0x59: {  	[tilespmem:s1], [sflag:$0x2] =	stream.indirect_vreg.gather [hbm4b:s7+s3], $0x80, v3, vm0, $0xb8;
	[tilespmem:$0x10400] =	vst v63  }
.LBB2_2:
0x5a: {  	_ =	swait.ge [sflag:s29], $0x4000  }
0x5b: {  	p0 =	seq.s32 s31, $0x0;
	[sflag:s29] =	ssyncset.done $0x0  }
0x5c: {  	s0 =	sadd.s32 s31, s10;
	s1 =	simm.s32 @!p0 $0x7;
	[sflag:s29] =	ssyncadd.s32 $0xFFFFC000  }
0x5d: {  	[hbm4b:s0+s3] =	stream.linear.scatter [tilespmem:s12], [sflag:$0x5], $0x4000, $0x38;
	[tilespmem:$0x10400] =	vst v63  }
0x5e: {  	_ =	swait.ge @!p0 [sflag:s1], $0x4000  }
0x5f: {  	[sflag:s1] =	ssyncset.done @!p0 $0x0  }
0x60: {  	[sflag:s1] =	ssyncadd.s32 @!p0 $0xFFFFC000  }
0x61: {  	v3 =	vld [tilespmem:s28+$0xFFFFFFF0];
	_ =	sdelay $0x4  }
0x62: {  	v4 =	vshll.u32 v3, $0x3  }
0x63: {  	v3 =	vand.u32 $0x7, v3;
	v4 =	vand.u32 $0xFFFFFFC0, v4  }
0x64: {  	v3 =	vor.u32 v3, v4  }
0x65: {  	v4 =	vperm.xlane v3, v0;
	_ =	sdelay $0x1  }
0x66: {  	v4 =	vadd.s32 v1, v4;
	_ =	sdelay $0x4  }
0x67: {  	[tilespmem:s30], [sflag:$0x3] =	stream.indirect_vreg.gather [hbm4b:s2+s3], $0x80, v4, vm0, $0xb8;
	[tilespmem:$0x10400] =	vst v63  }
0x68: {  	s1 =	simm.s32 $0x8C00;
	v3 =	vperm.xlane v3, v2  }
0x69: {  	[tilespmem:s1], [sflag:$0x3] =	stream.indirect_vreg.gather [hbm4b:s5+s3], $0x80, v4, vm0, $0xb8;
	[tilespmem:$0x10400] =	vst v63  }
0x6a: {  	v3 =	vadd.s32 v1, v3;
	s1 =	simm.s32 $0x9400  }
0x6b: {  	[tilespmem:s1], [sflag:$0x3] =	stream.indirect_vreg.gather [hbm4b:s6+s3], $0x80, v4, vm0, $0xb8;
	[tilespmem:$0x10400] =	vst v63  }
0x6c: {  	s1 =	simm.s32 $0x9C00  }
0x6d: {  	[tilespmem:s1], [sflag:$0x3] =	stream.indirect_vreg.gather [hbm4b:s7+s3], $0x80, v4, vm0, $0xb8;
	[tilespmem:$0x10400] =	vst v63  }
0x6e: {  	_ = 	snop  }
0x6f: {  	[tilespmem:s4], [sflag:$0x3] =	stream.indirect_vreg.gather [hbm4b:s2+s3], $0x80, v3, vm0, $0xb8;
	[tilespmem:$0x10400] =	vst v63  }
0x70: {  	_ = 	snop  }
0x71: {  	[tilespmem:s8], [sflag:$0x3] =	stream.indirect_vreg.gather [hbm4b:s5+s3], $0x80, v3, vm0, $0xb8;
	[tilespmem:$0x10400] =	vst v63  }
0x72: {  	_ = 	snop  }
0x73: {  	[tilespmem:s9], [sflag:$0x3] =	stream.indirect_vreg.gather [hbm4b:s6+s3], $0x80, v3, vm0, $0xb8;
	[tilespmem:$0x10400] =	vst v63  }
0x74: {  	_ = 	snop  }
0x75: {  	[tilespmem:s11], [sflag:$0x3] =	stream.indirect_vreg.gather [hbm4b:s7+s3], $0x80, v3, vm0, $0xb8;
	[tilespmem:$0x10400] =	vst v63  }
0x76: {  	_ =	swait.ge [sflag:s13], $0x4000  }
0x77: {  	[sflag:s13] =	ssyncset.done $0x0  }
0x78: {  	s1 =	sadd.s32 $0x800, s0;
	[sflag:s13] =	ssyncadd.s32 $0xFFFFC000  }
0x79: {  	[hbm4b:s1+s3] =	stream.linear.scatter [tilespmem:s20], [sflag:$0x6], $0x4000, $0x38;
	[tilespmem:$0x10400] =	vst v63  }
0x7a: {  	s1 =	simm.s32 @!p0 $0x8  }
0x7b: {  	_ =	swait.ge @!p0 [sflag:s1], $0x4000  }
0x7c: {  	[sflag:s1] =	ssyncset.done @!p0 $0x0  }
0x7d: {  	[sflag:s1] =	ssyncadd.s32 @!p0 $0xFFFFC000  }
0x7e: {  	v3 =	vld [tilespmem:s28+$0x0];
	_ =	sdelay $0x4  }
0x7f: {  	v63 =	vshll.u32 v3, $0x3  }
0x80: {  	v3 =	vand.u32 $0x7, v3;
	v4 =	vand.u32 $0xFFFFFFC0, v63  }
0x81: {  	v3 =	vor.u32 v3, v4  }
0x82: {  	v4 =	vperm.xlane v3, v0;
	_ =	sdelay $0x1  }
0x83: {  	v4 =	vadd.s32 v1, v4;
	_ =	sdelay $0x4  }
0x84: {  	[tilespmem:s14], [sflag:$0x4] =	stream.indirect_vreg.gather [hbm4b:s2+s3], $0x80, v4, vm0, $0xb8;
	[tilespmem:$0x10400] =	vst v63  }
0x85: {  	v3 =	vperm.xlane v3, v2  }
0x86: {  	[tilespmem:s15], [sflag:$0x4] =	stream.indirect_vreg.gather [hbm4b:s5+s3], $0x80, v4, vm0, $0xb8;
	[tilespmem:$0x10400] =	vst v63  }
0x87: {  	v3 =	vadd.s32 v1, v3  }
0x88: {  	[tilespmem:s16], [sflag:$0x4] =	stream.indirect_vreg.gather [hbm4b:s6+s3], $0x80, v4, vm0, $0xb8;
	[tilespmem:$0x10400] =	vst v63  }
0x89: {  	_ = 	snop  }
0x8a: {  	[tilespmem:s17], [sflag:$0x4] =	stream.indirect_vreg.gather [hbm4b:s7+s3], $0x80, v4, vm0, $0xb8;
	[tilespmem:$0x10400] =	vst v63  }
0x8b: {  	_ = 	snop  }
0x8c: {  	[tilespmem:s18], [sflag:$0x4] =	stream.indirect_vreg.gather [hbm4b:s2+s3], $0x80, v3, vm0, $0xb8;
	[tilespmem:$0x10400] =	vst v63  }
0x8d: {  	_ = 	snop  }
0x8e: {  	[tilespmem:s19], [sflag:$0x4] =	stream.indirect_vreg.gather [hbm4b:s5+s3], $0x80, v3, vm0, $0xb8;
	[tilespmem:$0x10400] =	vst v63  }
0x8f: {  	_ = 	snop  }
0x90: {  	[tilespmem:s21], [sflag:$0x4] =	stream.indirect_vreg.gather [hbm4b:s6+s3], $0x80, v3, vm0, $0xb8;
	[tilespmem:$0x10400] =	vst v63  }
0x91: {  	p0 =	seq.s32 s31, $0x1E000  }
0x92: {  	[tilespmem:s22], [sflag:$0x4] =	stream.indirect_vreg.gather [hbm4b:s7+s3], $0x80, v3, vm0, $0xb8;
	[tilespmem:$0x10400] =	vst v63  }
.Ltmp2:
0x93: {  	_ = 	snop;
	(pc) =	sbr.rel @p0 .LBB2_4-.Ltmp2, $4  }
0x94: {  	_ =	swait.ge [sflag:s23], $0x4000  }
0x95: {  	[sflag:s23] =	ssyncset.done $0x0  }
0x96: {  	s1 =	sadd.s32 $0x1000, s0;
	[sflag:s23] =	ssyncadd.s32 $0xFFFFC000  }
0x97: {  	[hbm4b:s1+s3] =	stream.linear.scatter [tilespmem:s30], [sflag:$0x7], $0x4000, $0x38;
	[tilespmem:$0x10400] =	vst v63  }
0x98: {  	_ =	swait.ge [sflag:s25], $0x4000  }
0x99: {  	[sflag:s25] =	ssyncset.done $0x0  }
0x9a: {  	[sflag:s25] =	ssyncadd.s32 $0xFFFFC000  }
0x9b: {  	v3 =	vld [tilespmem:s28+$0x10];
	_ =	sdelay $0x4  }
0x9c: {  	v4 =	vshll.u32 v3, $0x3  }
0x9d: {  	v3 =	vand.u32 $0x7, v3;
	v4 =	vand.u32 $0xFFFFFFC0, v4  }
0x9e: {  	v3 =	vor.u32 v3, v4  }
0x9f: {  	v4 =	vperm.xlane v3, v0;
	_ =	sdelay $0x1  }
0xa0: {  	v4 =	vadd.s32 v1, v4;
	_ =	sdelay $0x4  }
0xa1: {  	[tilespmem:s12], [sflag:$0x1] =	stream.indirect_vreg.gather [hbm4b:s2+s3], $0x80, v4, vm0, $0xb8;
	[tilespmem:$0x10400] =	vst v63  }
0xa2: {  	s1 =	simm.s32 $0xC00;
	v3 =	vperm.xlane v3, v2  }
0xa3: {  	[tilespmem:s1], [sflag:$0x1] =	stream.indirect_vreg.gather [hbm4b:s5+s3], $0x80, v4, vm0, $0xb8;
	[tilespmem:$0x10400] =	vst v63  }
0xa4: {  	v3 =	vadd.s32 v1, v3;
	s1 =	simm.s32 $0x1400  }
0xa5: {  	[tilespmem:s1], [sflag:$0x1] =	stream.indirect_vreg.gather [hbm4b:s6+s3], $0x80, v4, vm0, $0xb8;
	[tilespmem:$0x10400] =	vst v63  }
0xa6: {  	s1 =	simm.s32 $0x1C00  }
0xa7: {  	[tilespmem:s1], [sflag:$0x1] =	stream.indirect_vreg.gather [hbm4b:s7+s3], $0x80, v4, vm0, $0xb8;
	[tilespmem:$0x10400] =	vst v63  }
0xa8: {  	s1 =	simm.s32 $0x2400  }
0xa9: {  	[tilespmem:s1], [sflag:$0x1] =	stream.indirect_vreg.gather [hbm4b:s2+s3], $0x80, v3, vm0, $0xb8;
	[tilespmem:$0x10400] =	vst v63  }
0xaa: {  	s1 =	simm.s32 $0x2C00  }
0xab: {  	[tilespmem:s1], [sflag:$0x1] =	stream.indirect_vreg.gather [hbm4b:s5+s3], $0x80, v3, vm0, $0xb8;
	[tilespmem:$0x10400] =	vst v63  }
0xac: {  	s1 =	simm.s32 $0x3400  }
0xad: {  	[tilespmem:s1], [sflag:$0x1] =	stream.indirect_vreg.gather [hbm4b:s6+s3], $0x80, v3, vm0, $0xb8;
	[tilespmem:$0x10400] =	vst v63  }
0xae: {  	s1 =	simm.s32 $0x3C00  }
0xaf: {  	[tilespmem:s1], [sflag:$0x1] =	stream.indirect_vreg.gather [hbm4b:s7+s3], $0x80, v3, vm0, $0xb8;
	[tilespmem:$0x10400] =	vst v63  }
0xb0: {  	_ =	swait.ge [sflag:s24], $0x4000  }
0xb1: {  	[sflag:s24] =	ssyncset.done $0x0  }
0xb2: {  	s0 =	sadd.s32 $0x1800, s0;
	[sflag:s24] =	ssyncadd.s32 $0xFFFFC000  }
0xb3: {  	[hbm4b:s0+s3] =	stream.linear.scatter [tilespmem:s14], [sflag:$0x8], $0x4000, $0x38;
	[tilespmem:$0x10400] =	vst v63  }
0xb4: {  	_ =	swait.ge [sflag:s26], $0x4000  }
0xb5: {  	[sflag:s26] =	ssyncset.done $0x0  }
0xb6: {  	[sflag:s26] =	ssyncadd.s32 $0xFFFFC000  }
0xb7: {  	v3 =	vld [tilespmem:s28+$0x20];
	_ =	sdelay $0x4  }
0xb8: {  	v63 =	vshll.u32 v3, $0x3  }
0xb9: {  	v3 =	vand.u32 $0x7, v3;
	v4 =	vand.u32 $0xFFFFFFC0, v63  }
0xba: {  	v3 =	vor.u32 v3, v4  }
0xbb: {  	v4 =	vperm.xlane v3, v0;
	_ =	sdelay $0x1  }
0xbc: {  	v4 =	vadd.s32 v1, v4;
	_ =	sdelay $0x4  }
0xbd: {  	[tilespmem:s20], [sflag:$0x2] =	stream.indirect_vreg.gather [hbm4b:s2+s3], $0x80, v4, vm0, $0xb8;
	[tilespmem:$0x10400] =	vst v63  }
0xbe: {  	s1 =	simm.s32 $0x4C00;
	v3 =	vperm.xlane v3, v2  }
0xbf: {  	[tilespmem:s1], [sflag:$0x2] =	stream.indirect_vreg.gather [hbm4b:s5+s3], $0x80, v4, vm0, $0xb8;
	[tilespmem:$0x10400] =	vst v63  }
0xc0: {  	v3 =	vadd.s32 v1, v3;
	s1 =	simm.s32 $0x5400  }
0xc1: {  	[tilespmem:s1], [sflag:$0x2] =	stream.indirect_vreg.gather [hbm4b:s6+s3], $0x80, v4, vm0, $0xb8;
	[tilespmem:$0x10400] =	vst v63  }
0xc2: {  	s1 =	simm.s32 $0x5C00  }
0xc3: {  	[tilespmem:s1], [sflag:$0x2] =	stream.indirect_vreg.gather [hbm4b:s7+s3], $0x80, v4, vm0, $0xb8;
	[tilespmem:$0x10400] =	vst v63  }
0xc4: {  	s1 =	simm.s32 $0x6400  }
0xc5: {  	[tilespmem:s1], [sflag:$0x2] =	stream.indirect_vreg.gather [hbm4b:s2+s3], $0x80, v3, vm0, $0xb8;
	[tilespmem:$0x10400] =	vst v63  }
0xc6: {  	s1 =	simm.s32 $0x6C00  }
0xc7: {  	[tilespmem:s1], [sflag:$0x2] =	stream.indirect_vreg.gather [hbm4b:s5+s3], $0x80, v3, vm0, $0xb8;
	[tilespmem:$0x10400] =	vst v63  }
.Ltmp3:
0xc8: {  	_ = 	snop;
	(pc) =	sbr.rel .LBB2_2-.Ltmp3, $4  }
0xc9: {  	s1 =	simm.s32 $0x7400  }
0xca: {  	[tilespmem:s1], [sflag:$0x2] =	stream.indirect_vreg.gather [hbm4b:s6+s3], $0x80, v3, vm0, $0xb8;
	[tilespmem:$0x10400] =	vst v63  }
0xcb: {  	s31 =	sadd.s32 $0x2000, s31;
	s28 =	sadd.s32 $0x40, s28;
	s1 =	simm.s32 $0x7C00  }
0xcc: {  	[tilespmem:s1], [sflag:$0x2] =	stream.indirect_vreg.gather [hbm4b:s7+s3], $0x80, v3, vm0, $0xb8;
	[tilespmem:$0x10400] =	vst v63  }
.LBB2_5:
0xcd: {  	_ =	sfence.sel $0x180000  }
0xce: {  	[bflag:$0x0] =	sbarrier.arrive $0xFFFF  }
0xcf: {  	_ =	strace $0x90000047  }
0xd0: {  	s0 =	stileid.u32;
	[bflag:$0x2] =	sbarrier.arrive $0xFFFF  }
0xd1: {  	p0 =	sne.s32 s0, $0x0;
	s0 =	rddreg [dreg:$0x3]  }
0xd2: {  	s0 =	sadd.s32 @!p0 $0x100000, s0  }
0xd3: {  	[sflag:s0] =	ssyncadd.tile.s32 @!p0 $0x1;
	_ =	shalt  }
.Lfunc_end2:
_tile_overlayer_lowered:
.L_overlay_start_2:
0xd4: {  	(tag) =	ssettag $0x2  }
0xd5: {  	s0 =	rddreg [dreg:$0x0];
	s2 =	stileid.u32  }
0xd6: {  	s1 =	rddreg [dreg:$0x1];
	p0 =	sne.s32 s2, $0x0  }
0xd7: {  	s3 =	rddreg [dreg:$0x2];
	[bflag:$0x3] =	sbarrier.arrive $0xFFFF;
	s2 =	simm.s32 @!p0 $0x1C09  }
0xd8: {  	[timem:s3], [sflag:s2] =	dma.local @!p0 [hbm:s0], s1  }
0xd9: {  	s0 =	simm.s32 @!p0 $0x9  }
0xda: {  	_ =	swait.ge @!p0 [sflag:s0], s1  }
0xdb: {  	s1 =	ssub.s32 @!p0 $0x0, s1;
	[sflag:s0] =	ssyncset.done @!p0 $0x0  }
0xdc: {  	[sflag:s0] =	ssyncadd.s32 @!p0 s1  }
0xdd: {  	[bflag:$0x3] =	sbarrier.arrive $0xFFFF  }
0xde: {  	_ =	shalt  }

</sc_bundles>
